<compile_context>
chip_gen: v7x
topology: tpu7x:2x2x1
jax: 0.10.2.dev20260603
libtpu: 0.0.44.dev20260713+nightly
codegen_flags: <defaults>
</compile_context>

<pallas_src>
import functools

import jax
import jax.numpy as jnp
from jax import lax
from jax.experimental import pallas as pl
from jax.experimental.pallas import tpu as pltpu
from jax.experimental.pallas import tpu_sc as plsc

_N = 10000
_D = 128
_E = 320000
_NW = 32
_EPW = _E // _NW
_LANES = 16
_NP = 10240
_EPW0 = 9984
_EXTRA = _E - _NW * _EPW0
_EBUF = _EPW0 + _EXTRA

_sc_mesh = plsc.VectorSubcoreMesh(core_axis_name="c", subcore_axis_name="s")


@functools.partial(
    pl.kernel,
    out_type=jax.ShapeDtypeStruct((_NW * 2 * _NP,), jnp.float32),
    mesh=_sc_mesh,
    scratch_types=[
        pltpu.VMEM((2, _EBUF), jnp.int32),
        pltpu.VMEM((2 * _NP,), jnp.float32),
        pltpu.SemaphoreType.DMA,
        pltpu.SemaphoreType.DMA,
    ],
    compiler_params=pltpu.CompilerParams(needs_layout_passes=False),
)
def _sc_hist(edges_hbm, out_hbm, eidx, hist, sem_s, sem_r):
    wid = lax.axis_index("s") * 2 + lax.axis_index("c")
    base = wid * _EPW0
    cp_s = pltpu.async_copy(edges_hbm.at[:, pl.ds(base, _EPW0)],
                            eidx.at[:, pl.ds(0, _EPW0)], sem_s)

    @pl.when(wid == _NW - 1)
    def _extra_start():
        pltpu.async_copy(edges_hbm.at[:, pl.ds(_NW * _EPW0, _EXTRA)],
                         eidx.at[:, pl.ds(_EPW0, _EXTRA)], sem_r)

    zero16 = jnp.zeros((_LANES,), jnp.float32)

    @plsc.parallel_loop(0, (2 * _NP) // _LANES, unroll=4)
    def _zero(i):
        hist[pl.ds(i * _LANES, _LANES)] = zero16

    cp_s.wait()

    @pl.when(wid == _NW - 1)
    def _extra_wait():
        pltpu.make_async_copy(
            edges_hbm.at[:, pl.ds(_NW * _EPW0, _EXTRA)],
            eidx.at[:, pl.ds(_EPW0, _EXTRA)], sem_r).wait()

    ones16 = jnp.ones((_LANES,), jnp.float32)
    noff = jnp.full((_LANES,), _NP, jnp.int32)

    @plsc.parallel_loop(0, _EPW0 // _LANES, unroll=16)
    def _scatter(i):
        s = eidx[0, pl.ds(i * _LANES, _LANES)]
        plsc.addupdate_scatter(hist, [s], ones16)
        r = eidx[1, pl.ds(i * _LANES, _LANES)]
        plsc.addupdate_scatter(hist, [r + noff], ones16)

    @pl.when(wid == _NW - 1)
    def _extra_scatter():
        @plsc.parallel_loop(0, _EXTRA // _LANES, unroll=2)
        def _scatter2(i):
            s = eidx[0, pl.ds(_EPW0 + i * _LANES, _LANES)]
            plsc.addupdate_scatter(hist, [s], ones16)
            r = eidx[1, pl.ds(_EPW0 + i * _LANES, _LANES)]
            plsc.addupdate_scatter(hist, [r + noff], ones16)

    pltpu.sync_copy(hist, out_hbm.at[pl.ds(wid * 2 * _NP, 2 * _NP)])


_BLK = 2000
_R = 2 * _NW


def _tc_body(nodes_ref, part_hbm, act_ref, out_ref, deg_scr, pbuf, sem):
    i = pl.program_id(0)

    @pl.when(i == 0)
    def _compute_deg():
        for j in range(_R):
            pltpu.make_async_copy(
                part_hbm.at[pl.ds(j * _NP, _NP)], pbuf.at[j], sem).start()
        for j in range(_R):
            pltpu.make_async_copy(
                part_hbm.at[pl.ds(j * _NP, _NP)], pbuf.at[j], sem).wait()
        act_full = jnp.concatenate(
            [act_ref[...], jnp.zeros((_NP - _N,), jnp.float32)])
        act_b = jnp.broadcast_to(act_full[None, :], (_R, _NP))
        p = pbuf[...] * act_b
        jm = lax.broadcasted_iota(jnp.int32, (_R, _D), 0)
        lm = lax.broadcasted_iota(jnp.int32, (_R, _D), 1)
        w = ((jm % 2) == lm).astype(jnp.float32)
        full = lax.dot_general(
            p, w, (((0,), (0,)), ((), ())),
            preferred_element_type=jnp.float32)
        deg_scr[...] = full[0:_N, :]

    res = deg_scr[pl.ds(i * _BLK, _BLK), :]
    col = lax.broadcasted_iota(jnp.int32, (_BLK, _D), 1)
    out_ref[...] = jnp.where(col < 2, res, nodes_ref[...])


_tc_inject = pl.pallas_call(
    _tc_body,
    grid=(_N // _BLK,),
    in_specs=[
        pl.BlockSpec((_BLK, _D), lambda i: (i, 0)),
        pl.BlockSpec(memory_space=pltpu.MemorySpace.HBM),
        pl.BlockSpec((_N,), lambda i: (0,)),
    ],
    out_specs=pl.BlockSpec((_BLK, _D), lambda i: (i, 0)),
    out_shape=jax.ShapeDtypeStruct((_N, _D), jnp.float32),
    scratch_shapes=[
        pltpu.VMEM((_N, _D), jnp.float32),
        pltpu.VMEM((_R, _NP), jnp.float32),
        pltpu.SemaphoreType.DMA,
    ],
)


def kernel(nodes, edge_index, active_nodes):
    partials = _sc_hist(edge_index)
    return _tc_inject(nodes, partials, active_nodes)

# --- scband reference (transcript-rebuilt; emitter-appended) ---
"""Pipeline reference for scband-node-metrics-injection-56968446214205 (READ-ONLY COPY).

The authoritative reference and input builder live on the scoring server;
editing this copy changes nothing except your own understanding.
"""

import jax, jax.numpy as jnp
import numpy as np

N_NODES = 10000
D_FEAT = 128
N_EDGES = 320000


def setup_inputs(seed: int = 0) -> dict:
    key = jax.random.key(seed)
    k1, k2 = jax.random.split(key, 2)
    nodes = jax.random.normal(k1, (N_NODES, D_FEAT), dtype=jnp.float32)
    edge_index = jax.random.randint(k2, (2, N_EDGES), 0, N_NODES, dtype=jnp.int32)
    active_nodes = jnp.ones((N_NODES,), dtype=jnp.float32)
    return {"nodes": nodes, "edge_index": edge_index, "active_nodes": active_nodes}


def reference(nodes, edge_index, active_nodes):
    # Faithful translation of NodeMetricsInjection with default metrics
    # [out_degrees, in_degrees], index=0.
    senders = edge_index[0]
    receivers = edge_index[1]
    n = nodes.shape[0]
    # out_degrees(graph): scatter-add of ones over sender node ids
    out_deg = jnp.zeros((n,), dtype=nodes.dtype).at[senders].add(1.0)
    # in_degrees(graph): scatter-add of ones over receiver node ids
    in_deg = jnp.zeros((n,), dtype=nodes.dtype).at[receivers].add(1.0)
    # jnp.dstack([m1, m2])[0] -> shape [N, n_metrics]
    res = jnp.dstack([out_deg, in_deg])[0]
    # mask by active nodes
    res = res * active_nodes[..., None]
    # graph._replace(nodes=graph.nodes.at[:, index:index+n_metrics].set(res))
    new_nodes = nodes.at[:, 0:2].set(res)
    return new_nodes

if __name__ == "__main__":
    import jax
    _d = setup_inputs()
    print(jax.jit(kernel)(*tuple(_d.values())))

</pallas_src>

<mosaic_0001>
#map = affine_map<(d0, d1) -> (0, 0)>
#map1 = affine_map<(d0, d1) -> (0)>
module attributes {stable_mosaic.version = 14 : i64} {
  func.func @_sc_hist(%arg0: i32, %arg1: i32, %arg2: memref<2x320000xi32, #tpu.memory_space<hbm>>, %arg3: memref<655360xf32, #tpu.memory_space<hbm>>, %arg4: memref<2x10496xi32, #tpu.memory_space<vmem>>, %arg5: memref<20480xf32, #tpu.memory_space<vmem>>, %arg6: memref<!tpu.dma_semaphore, #tpu.memory_space<semaphore_mem>>, %arg7: memref<!tpu.dma_semaphore, #tpu.memory_space<semaphore_mem>>) attributes {dimension_semantics = [#tpu.dimension_semantics<core_parallel>, #tpu.dimension_semantics<subcore_parallel>], iteration_bounds = array<i64: 2, 16>, scalar_prefetch = 0 : i64, scratch_operands = 4 : i64, tpu.core_type = #tpu.core_type<sc_vector_subcore>, window_params = [{transform_indices = #map}, {transform_indices = #map1}]} {
    %mul3A = arith.constant 2 : i32
    %mul3A_0 = arith.muli %arg1, %mul3A : i32
    %add3A = arith.addi %mul3A_0, %arg0 : i32
    %mul3A_1 = arith.constant 9984 : i32
    %mul3A_2 = arith.muli %add3A, %mul3A_1 : i32
    %dma_start3A = arith.constant 0 : i32
    %dma_start3A_3 = arith.constant 0 : i32
    %dma_start3A_4 = tpu.memref_slice %arg4[%dma_start3A, %dma_start3A_3] : memref<2x10496xi32, #tpu.memory_space<vmem>> -> memref<2x9984xi32, #tpu.memory_space<vmem>>
    %dma_start3A_5 = arith.constant 0 : i32
    %dma_start3A_6 = tpu.memref_slice %arg2[%dma_start3A_5, %mul3A_2] : memref<2x320000xi32, #tpu.memory_space<hbm>> -> memref<2x9984xi32, #tpu.memory_space<hbm>>
    %dma_start3A_7 = arith.constant 0 : i32
    %dma_start3A_8 = arith.constant 0 : i32
    %dma_start3A_9 = tpu.memref_slice %arg4[%dma_start3A_7, %dma_start3A_8] : memref<2x10496xi32, #tpu.memory_space<vmem>> -> memref<2x9984xi32, #tpu.memory_space<vmem>>
    %dma_start3A_10 = arith.constant 0 : i32
    %dma_start3A_11 = tpu.memref_slice %arg2[%dma_start3A_10, %mul3A_2] : memref<2x320000xi32, #tpu.memory_space<hbm>> -> memref<2x9984xi32, #tpu.memory_space<hbm>>
    tpu.enqueue_dma source(%dma_start3A_11 : memref<2x9984xi32, #tpu.memory_space<hbm>>) target(%dma_start3A_9 : memref<2x9984xi32, #tpu.memory_space<vmem>>) target_semaphore(%arg6 : memref<!tpu.dma_semaphore, #tpu.memory_space<semaphore_mem>>)
    %eq3A = arith.constant 31 : i32
    %eq3A_12 = arith.cmpi eq, %add3A, %eq3A : i32
    %convert_element_type3A = arith.extui %eq3A_12 : i1 to i32
    %cond3A = arith.constant 0 : i32
    %cond3A_13 = arith.cmpi ne, %convert_element_type3A, %cond3A : i32
    scf.if %cond3A_13 {
      %dma_start3A_47 = arith.constant 0 : i32
      %dma_start3A_48 = arith.constant 9984 : i32
      %dma_start3A_49 = tpu.memref_slice %arg4[%dma_start3A_47, %dma_start3A_48] : memref<2x10496xi32, #tpu.memory_space<vmem>> -> memref<2x512xi32, #tpu.memory_space<vmem>>
      %dma_start3A_50 = arith.constant 0 : i32
      %dma_start3A_51 = arith.constant 319488 : i32
      %dma_start3A_52 = tpu.memref_slice %arg2[%dma_start3A_50, %dma_start3A_51] : memref<2x320000xi32, #tpu.memory_space<hbm>> -> memref<2x512xi32, #tpu.memory_space<hbm>>
      %dma_start3A_53 = arith.constant 0 : i32
      %dma_start3A_54 = arith.constant 9984 : i32
      %dma_start3A_55 = tpu.memref_slice %arg4[%dma_start3A_53, %dma_start3A_54] : memref<2x10496xi32, #tpu.memory_space<vmem>> -> memref<2x512xi32, #tpu.memory_space<vmem>>
      %dma_start3A_56 = arith.constant 0 : i32
      %dma_start3A_57 = arith.constant 319488 : i32
      %dma_start3A_58 = tpu.memref_slice %arg2[%dma_start3A_56, %dma_start3A_57] : memref<2x320000xi32, #tpu.memory_space<hbm>> -> memref<2x512xi32, #tpu.memory_space<hbm>>
      tpu.enqueue_dma source(%dma_start3A_58 : memref<2x512xi32, #tpu.memory_space<hbm>>) target(%dma_start3A_55 : memref<2x512xi32, #tpu.memory_space<vmem>>) target_semaphore(%arg7 : memref<!tpu.dma_semaphore, #tpu.memory_space<semaphore_mem>>)
    } else {
    }
    %broadcast_in_dim3A = arith.constant 0.000000e+00 : f32
    %broadcast_in_dim3A_14 = vector.broadcast %broadcast_in_dim3A : f32 to vector<16xf32>
    %parallel_loop3A = arith.constant 0 : i32
    %parallel_loop3A_15 = arith.constant 1280 : i32
    %parallel_loop3A_16 = arith.constant 1 : i32
    scf.for %parallel_loop3A_47 = %parallel_loop3A to %parallel_loop3A_15 step %parallel_loop3A_16  : i32 {
      %parallel_loop3A_48 = arith.constant 16 : i32
      %parallel_loop3A_49 = arith.muli %parallel_loop3A_47, %parallel_loop3A_48 : i32
      %parallel_loop3A_50 = arith.index_cast %parallel_loop3A_49 : i32 to index
      %parallel_loop3A_51 = tpu.vector_load %arg5[%parallel_loop3A_50] {strides = array<i32>} : memref<20480xf32, #tpu.memory_space<vmem>>, vector<16xf32>,
      tpu.vector_store %arg5[%parallel_loop3A_50], %broadcast_in_dim3A_14 {strides = array<i32>} : memref<20480xf32, #tpu.memory_space<vmem>>, vector<16xf32>,
    } {sc.loop_unroll_factor = 4 : i64, sc.parallel_access}
    %dma_wait3A = arith.constant 0 : i32
    %dma_wait3A_17 = arith.constant 0 : i32
    %dma_wait3A_18 = tpu.memref_slice %arg4[%dma_wait3A, %dma_wait3A_17] : memref<2x10496xi32, #tpu.memory_space<vmem>> -> memref<2x9984xi32, #tpu.memory_space<vmem>>
    %dma_wait3A_19 = arith.constant 0 : i32
    %dma_wait3A_20 = tpu.memref_slice %arg2[%dma_wait3A_19, %mul3A_2] : memref<2x320000xi32, #tpu.memory_space<hbm>> -> memref<2x9984xi32, #tpu.memory_space<hbm>>
    %dma_wait3A_21 = arith.constant 0 : i32
    %dma_wait3A_22 = arith.constant 0 : i32
    %dma_wait3A_23 = tpu.memref_slice %arg4[%dma_wait3A_21, %dma_wait3A_22] : memref<2x10496xi32, #tpu.memory_space<vmem>> -> memref<2x9984xi32, #tpu.memory_space<vmem>>
    %dma_wait3A_24 = arith.constant 0 : i32
    %dma_wait3A_25 = tpu.memref_slice %arg2[%dma_wait3A_24, %mul3A_2] : memref<2x320000xi32, #tpu.memory_space<hbm>> -> memref<2x9984xi32, #tpu.memory_space<hbm>>
    tpu.wait_dma2 semaphore(%arg6 : memref<!tpu.dma_semaphore, #tpu.memory_space<semaphore_mem>>) src(%dma_wait3A_25 : memref<2x9984xi32, #tpu.memory_space<hbm>>) dst(%dma_wait3A_23 : memref<2x9984xi32, #tpu.memory_space<vmem>>)
    %eq3A_26 = arith.constant 31 : i32
    %eq3A_27 = arith.cmpi eq, %add3A, %eq3A_26 : i32
    %convert_element_type3A_28 = arith.extui %eq3A_27 : i1 to i32
    %cond3A_29 = arith.constant 0 : i32
    %cond3A_30 = arith.cmpi ne, %convert_element_type3A_28, %cond3A_29 : i32
    scf.if %cond3A_30 {
      %dma_wait3A_47 = arith.constant 0 : i32
      %dma_wait3A_48 = arith.constant 9984 : i32
      %dma_wait3A_49 = tpu.memref_slice %arg4[%dma_wait3A_47, %dma_wait3A_48] : memref<2x10496xi32, #tpu.memory_space<vmem>> -> memref<2x512xi32, #tpu.memory_space<vmem>>
      %dma_wait3A_50 = arith.constant 0 : i32
      %dma_wait3A_51 = arith.constant 319488 : i32
      %dma_wait3A_52 = tpu.memref_slice %arg2[%dma_wait3A_50, %dma_wait3A_51] : memref<2x320000xi32, #tpu.memory_space<hbm>> -> memref<2x512xi32, #tpu.memory_space<hbm>>
      %dma_wait3A_53 = arith.constant 0 : i32
      %dma_wait3A_54 = arith.constant 9984 : i32
      %dma_wait3A_55 = tpu.memref_slice %arg4[%dma_wait3A_53, %dma_wait3A_54] : memref<2x10496xi32, #tpu.memory_space<vmem>> -> memref<2x512xi32, #tpu.memory_space<vmem>>
      %dma_wait3A_56 = arith.constant 0 : i32
      %dma_wait3A_57 = arith.constant 319488 : i32
      %dma_wait3A_58 = tpu.memref_slice %arg2[%dma_wait3A_56, %dma_wait3A_57] : memref<2x320000xi32, #tpu.memory_space<hbm>> -> memref<2x512xi32, #tpu.memory_space<hbm>>
      tpu.wait_dma2 semaphore(%arg7 : memref<!tpu.dma_semaphore, #tpu.memory_space<semaphore_mem>>) src(%dma_wait3A_58 : memref<2x512xi32, #tpu.memory_space<hbm>>) dst(%dma_wait3A_55 : memref<2x512xi32, #tpu.memory_space<vmem>>)
    } else {
    }
    %broadcast_in_dim3A_31 = arith.constant 1.000000e+00 : f32
    %broadcast_in_dim3A_32 = vector.broadcast %broadcast_in_dim3A_31 : f32 to vector<16xf32>
    %broadcast_in_dim3A_33 = arith.constant 10240 : i32
    %broadcast_in_dim3A_34 = vector.broadcast %broadcast_in_dim3A_33 : i32 to vector<16xi32>
    %parallel_loop3A_35 = arith.constant 0 : i32
    %parallel_loop3A_36 = arith.constant 624 : i32
    %parallel_loop3A_37 = arith.constant 1 : i32
    scf.for %parallel_loop3A_47 = %parallel_loop3A_35 to %parallel_loop3A_36 step %parallel_loop3A_37  : i32 {
      %parallel_loop3A_48 = arith.constant 16 : i32
      %parallel_loop3A_49 = arith.muli %parallel_loop3A_47, %parallel_loop3A_48 : i32
      %parallel_loop3A_50 = arith.constant 0 : i32
      %parallel_loop3A_51 = arith.index_cast %parallel_loop3A_50 : i32 to index
      %parallel_loop3A_52 = arith.index_cast %parallel_loop3A_49 : i32 to index
      %parallel_loop3A_53 = tpu.vector_load %arg4[%parallel_loop3A_51, %parallel_loop3A_52] {strides = array<i32>} : memref<2x10496xi32, #tpu.memory_space<vmem>>, vector<16xi32>,
      tpu.vector_store_idx %arg5[%parallel_loop3A_53], %broadcast_in_dim3A_32 {add = true} : memref<20480xf32, #tpu.memory_space<vmem>>[vector<16xi32>], vector<16xf32>,
      %parallel_loop3A_54 = arith.constant 16 : i32
      %parallel_loop3A_55 = arith.muli %parallel_loop3A_47, %parallel_loop3A_54 : i32
      %parallel_loop3A_56 = arith.constant 1 : i32
      %parallel_loop3A_57 = arith.index_cast %parallel_loop3A_56 : i32 to index
      %parallel_loop3A_58 = arith.index_cast %parallel_loop3A_55 : i32 to index
      %parallel_loop3A_59 = tpu.vector_load %arg4[%parallel_loop3A_57, %parallel_loop3A_58] {strides = array<i32>} : memref<2x10496xi32, #tpu.memory_space<vmem>>, vector<16xi32>,
      %parallel_loop3A_60 = arith.addi %parallel_loop3A_59, %broadcast_in_dim3A_34 : vector<16xi32>
      tpu.vector_store_idx %arg5[%parallel_loop3A_60], %broadcast_in_dim3A_32 {add = true} : memref<20480xf32, #tpu.memory_space<vmem>>[vector<16xi32>], vector<16xf32>,
    } {sc.loop_unroll_factor = 16 : i64, sc.parallel_access}
    %eq3A_38 = arith.constant 31 : i32
    %eq3A_39 = arith.cmpi eq, %add3A, %eq3A_38 : i32
    %convert_element_type3A_40 = arith.extui %eq3A_39 : i1 to i32
    %cond3A_41 = arith.constant 0 : i32
    %cond3A_42 = arith.cmpi ne, %convert_element_type3A_40, %cond3A_41 : i32
    scf.if %cond3A_42 {
      %parallel_loop3A_47 = arith.constant 0 : i32
      %parallel_loop3A_48 = arith.constant 32 : i32
      %parallel_loop3A_49 = arith.constant 1 : i32
      scf.for %parallel_loop3A_50 = %parallel_loop3A_47 to %parallel_loop3A_48 step %parallel_loop3A_49  : i32 {
        %parallel_loop3A_51 = arith.constant 16 : i32
        %parallel_loop3A_52 = arith.muli %parallel_loop3A_50, %parallel_loop3A_51 : i32
        %parallel_loop3A_53 = arith.constant 9984 : i32
        %parallel_loop3A_54 = arith.addi %parallel_loop3A_53, %parallel_loop3A_52 : i32
        %parallel_loop3A_55 = arith.constant 0 : i32
        %parallel_loop3A_56 = arith.index_cast %parallel_loop3A_55 : i32 to index
        %parallel_loop3A_57 = arith.index_cast %parallel_loop3A_54 : i32 to index
        %parallel_loop3A_58 = tpu.vector_load %arg4[%parallel_loop3A_56, %parallel_loop3A_57] {strides = array<i32>} : memref<2x10496xi32, #tpu.memory_space<vmem>>, vector<16xi32>,
        tpu.vector_store_idx %arg5[%parallel_loop3A_58], %broadcast_in_dim3A_32 {add = true} : memref<20480xf32, #tpu.memory_space<vmem>>[vector<16xi32>], vector<16xf32>,
        %parallel_loop3A_59 = arith.constant 16 : i32
        %parallel_loop3A_60 = arith.muli %parallel_loop3A_50, %parallel_loop3A_59 : i32
        %parallel_loop3A_61 = arith.constant 9984 : i32
        %parallel_loop3A_62 = arith.addi %parallel_loop3A_61, %parallel_loop3A_60 : i32
        %parallel_loop3A_63 = arith.constant 1 : i32
        %parallel_loop3A_64 = arith.index_cast %parallel_loop3A_63 : i32 to index
        %parallel_loop3A_65 = arith.index_cast %parallel_loop3A_62 : i32 to index
        %parallel_loop3A_66 = tpu.vector_load %arg4[%parallel_loop3A_64, %parallel_loop3A_65] {strides = array<i32>} : memref<2x10496xi32, #tpu.memory_space<vmem>>, vector<16xi32>,
        %parallel_loop3A_67 = arith.addi %parallel_loop3A_66, %broadcast_in_dim3A_34 : vector<16xi32>
        tpu.vector_store_idx %arg5[%parallel_loop3A_67], %broadcast_in_dim3A_32 {add = true} : memref<20480xf32, #tpu.memory_space<vmem>>[vector<16xi32>], vector<16xf32>,
      } {sc.loop_unroll_factor = 2 : i64, sc.parallel_access}
    } else {
    }
    %mul3A_43 = arith.constant 2 : i32
    %mul3A_44 = arith.muli %add3A, %mul3A_43 : i32
    %mul3A_45 = arith.constant 10240 : i32
    %mul3A_46 = arith.muli %mul3A_44, %mul3A_45 : i32
    "tpu.region"() ({
      %run_scoped3A = tpu.sem_alloc : memref<!tpu.dma_semaphore, #tpu.memory_space<semaphore_mem>>
      %dma_start3A_47 = tpu.memref_slice %arg3[%mul3A_46] : memref<655360xf32, #tpu.memory_space<hbm>> -> memref<20480xf32, #tpu.memory_space<hbm>>
      %dma_start3A_48 = tpu.memref_slice %arg3[%mul3A_46] : memref<655360xf32, #tpu.memory_space<hbm>> -> memref<20480xf32, #tpu.memory_space<hbm>>
      tpu.enqueue_dma source(%arg5 : memref<20480xf32, #tpu.memory_space<vmem>>) target(%dma_start3A_48 : memref<20480xf32, #tpu.memory_space<hbm>>) target_semaphore(%run_scoped3A : memref<!tpu.dma_semaphore, #tpu.memory_space<semaphore_mem>>)
      %dma_wait3A_49 = tpu.memref_slice %arg3[%mul3A_46] : memref<655360xf32, #tpu.memory_space<hbm>> -> memref<20480xf32, #tpu.memory_space<hbm>>
      %dma_wait3A_50 = tpu.memref_slice %arg3[%mul3A_46] : memref<655360xf32, #tpu.memory_space<hbm>> -> memref<20480xf32, #tpu.memory_space<hbm>>
      tpu.wait_dma2 semaphore(%run_scoped3A : memref<!tpu.dma_semaphore, #tpu.memory_space<semaphore_mem>>) src(%arg5 : memref<20480xf32, #tpu.memory_space<vmem>>) dst(%dma_wait3A_50 : memref<20480xf32, #tpu.memory_space<hbm>>)
      tpu.yield
    }) : () -> ()
    return
  }
}

module attributes {stable_mosaic.version = 14 : i64} {
  func.func @_tc_body(%arg0: i32, %arg1: memref<2000x128xf32, #tpu.memory_space<vmem>>, %arg2: memref<655360xf32, #tpu.memory_space<hbm>>, %arg3: memref<10000xf32, #tpu.memory_space<vmem>>, %arg4: memref<2000x128xf32, #tpu.memory_space<vmem>>, %arg5: memref<10000x128xf32, #tpu.memory_space<vmem>>, %arg6: memref<64x10240xf32, #tpu.memory_space<vmem>>, %arg7: memref<!tpu.dma_semaphore, #tpu.memory_space<semaphore_mem>>) attributes {dimension_semantics = [#tpu.dimension_semantics<arbitrary>], iteration_bounds = array<i64: 5>, scalar_prefetch = 0 : i64, scratch_operands = 3 : i64, tpu.core_type = #tpu.core_type<tc>, window_params = [{transform_indices = @transform_0, window_bounds = array<i64: 2000, 128>}, {}, {pipeline_mode = #tpu.pipeline_mode<synchronous>, transform_indices = @transform_2, window_bounds = array<i64: 10000>}, {transform_indices = @transform_3, window_bounds = array<i64: 2000, 128>}]} {
    %eq3A = arith.constant 0 : i32
    %eq3A_0 = arith.cmpi eq, %arg0, %eq3A : i32
    %convert_element_type3A = arith.extui %eq3A_0 : i1 to i32
    %cond3A = arith.constant 0 : i32
    %cond3A_1 = arith.cmpi ne, %convert_element_type3A, %cond3A : i32
    scf.if %cond3A_1 {
      %dma_start3A = arith.constant 0 : i32
      %dma_start3A_12 = arith.constant 0 : i32
      %dma_start3A_13 = tpu.memref_slice %arg6[%dma_start3A, %dma_start3A_12] : memref<64x10240xf32, #tpu.memory_space<vmem>> -> memref<1x10240xf32, #tpu.memory_space<vmem>>
      %dma_start3A_14 = tpu.memref_squeeze %dma_start3A_13 : memref<1x10240xf32, #tpu.memory_space<vmem>> -> memref<10240xf32, #tpu.memory_space<vmem>>
      %dma_start3A_15 = arith.constant 0 : i32
      %dma_start3A_16 = tpu.memref_slice %arg2[%dma_start3A_15] : memref<655360xf32, #tpu.memory_space<hbm>> -> memref<10240xf32, #tpu.memory_space<hbm>>
      tpu.enqueue_dma source(%dma_start3A_16 : memref<10240xf32, #tpu.memory_space<hbm>>) target(%dma_start3A_14 : memref<10240xf32, #tpu.memory_space<vmem>>) target_semaphore(%arg7 : memref<!tpu.dma_semaphore, #tpu.memory_space<semaphore_mem>>)
      %dma_start3A_17 = arith.constant 1 : i32
      %dma_start3A_18 = arith.constant 0 : i32
      %dma_start3A_19 = tpu.memref_slice %arg6[%dma_start3A_17, %dma_start3A_18] : memref<64x10240xf32, #tpu.memory_space<vmem>> -> memref<1x10240xf32, #tpu.memory_space<vmem>>
      %dma_start3A_20 = tpu.memref_squeeze %dma_start3A_19 : memref<1x10240xf32, #tpu.memory_space<vmem>> -> memref<10240xf32, #tpu.memory_space<vmem>>
      %dma_start3A_21 = arith.constant 10240 : i32
      %dma_start3A_22 = tpu.memref_slice %arg2[%dma_start3A_21] : memref<655360xf32, #tpu.memory_space<hbm>> -> memref<10240xf32, #tpu.memory_space<hbm>>
      tpu.enqueue_dma source(%dma_start3A_22 : memref<10240xf32, #tpu.memory_space<hbm>>) target(%dma_start3A_20 : memref<10240xf32, #tpu.memory_space<vmem>>) target_semaphore(%arg7 : memref<!tpu.dma_semaphore, #tpu.memory_space<semaphore_mem>>)
      %dma_start3A_23 = arith.constant 2 : i32
      %dma_start3A_24 = arith.constant 0 : i32
      %dma_start3A_25 = tpu.memref_slice %arg6[%dma_start3A_23, %dma_start3A_24] : memref<64x10240xf32, #tpu.memory_space<vmem>> -> memref<1x10240xf32, #tpu.memory_space<vmem>>
      %dma_start3A_26 = tpu.memref_squeeze %dma_start3A_25 : memref<1x10240xf32, #tpu.memory_space<vmem>> -> memref<10240xf32, #tpu.memory_space<vmem>>
      %dma_start3A_27 = arith.constant 20480 : i32
      %dma_start3A_28 = tpu.memref_slice %arg2[%dma_start3A_27] : memref<655360xf32, #tpu.memory_space<hbm>> -> memref<10240xf32, #tpu.memory_space<hbm>>
      tpu.enqueue_dma source(%dma_start3A_28 : memref<10240xf32, #tpu.memory_space<hbm>>) target(%dma_start3A_26 : memref<10240xf32, #tpu.memory_space<vmem>>) target_semaphore(%arg7 : memref<!tpu.dma_semaphore, #tpu.memory_space<semaphore_mem>>)
      %dma_start3A_29 = arith.constant 3 : i32
      %dma_start3A_30 = arith.constant 0 : i32
      %dma_start3A_31 = tpu.memref_slice %arg6[%dma_start3A_29, %dma_start3A_30] : memref<64x10240xf32, #tpu.memory_space<vmem>> -> memref<1x10240xf32, #tpu.memory_space<vmem>>
      %dma_start3A_32 = tpu.memref_squeeze %dma_start3A_31 : memref<1x10240xf32, #tpu.memory_space<vmem>> -> memref<10240xf32, #tpu.memory_space<vmem>>
      %dma_start3A_33 = arith.constant 30720 : i32
      %dma_start3A_34 = tpu.memref_slice %arg2[%dma_start3A_33] : memref<655360xf32, #tpu.memory_space<hbm>> -> memref<10240xf32, #tpu.memory_space<hbm>>
      tpu.enqueue_dma source(%dma_start3A_34 : memref<10240xf32, #tpu.memory_space<hbm>>) target(%dma_start3A_32 : memref<10240xf32, #tpu.memory_space<vmem>>) target_semaphore(%arg7 : memref<!tpu.dma_semaphore, #tpu.memory_space<semaphore_mem>>)
      %dma_start3A_35 = arith.constant 4 : i32
      %dma_start3A_36 = arith.constant 0 : i32
      %dma_start3A_37 = tpu.memref_slice %arg6[%dma_start3A_35, %dma_start3A_36] : memref<64x10240xf32, #tpu.memory_space<vmem>> -> memref<1x10240xf32, #tpu.memory_space<vmem>>
      %dma_start3A_38 = tpu.memref_squeeze %dma_start3A_37 : memref<1x10240xf32, #tpu.memory_space<vmem>> -> memref<10240xf32, #tpu.memory_space<vmem>>
      %dma_start3A_39 = arith.constant 40960 : i32
      %dma_start3A_40 = tpu.memref_slice %arg2[%dma_start3A_39] : memref<655360xf32, #tpu.memory_space<hbm>> -> memref<10240xf32, #tpu.memory_space<hbm>>
      tpu.enqueue_dma source(%dma_start3A_40 : memref<10240xf32, #tpu.memory_space<hbm>>) target(%dma_start3A_38 : memref<10240xf32, #tpu.memory_space<vmem>>) target_semaphore(%arg7 : memref<!tpu.dma_semaphore, #tpu.memory_space<semaphore_mem>>)
      %dma_start3A_41 = arith.constant 5 : i32
      %dma_start3A_42 = arith.constant 0 : i32
      %dma_start3A_43 = tpu.memref_slice %arg6[%dma_start3A_41, %dma_start3A_42] : memref<64x10240xf32, #tpu.memory_space<vmem>> -> memref<1x10240xf32, #tpu.memory_space<vmem>>
      %dma_start3A_44 = tpu.memref_squeeze %dma_start3A_43 : memref<1x10240xf32, #tpu.memory_space<vmem>> -> memref<10240xf32, #tpu.memory_space<vmem>>
      %dma_start3A_45 = arith.constant 51200 : i32
      %dma_start3A_46 = tpu.memref_slice %arg2[%dma_start3A_45] : memref<655360xf32, #tpu.memory_space<hbm>> -> memref<10240xf32, #tpu.memory_space<hbm>>
      tpu.enqueue_dma source(%dma_start3A_46 : memref<10240xf32, #tpu.memory_space<hbm>>) target(%dma_start3A_44 : memref<10240xf32, #tpu.memory_space<vmem>>) target_semaphore(%arg7 : memref<!tpu.dma_semaphore, #tpu.memory_space<semaphore_mem>>)
      %dma_start3A_47 = arith.constant 6 : i32
      %dma_start3A_48 = arith.constant 0 : i32
      %dma_start3A_49 = tpu.memref_slice %arg6[%dma_start3A_47, %dma_start3A_48] : memref<64x10240xf32, #tpu.memory_space<vmem>> -> memref<1x10240xf32, #tpu.memory_space<vmem>>
      %dma_start3A_50 = tpu.memref_squeeze %dma_start3A_49 : memref<1x10240xf32, #tpu.memory_space<vmem>> -> memref<10240xf32, #tpu.memory_space<vmem>>
      %dma_start3A_51 = arith.constant 61440 : i32
      %dma_start3A_52 = tpu.memref_slice %arg2[%dma_start3A_51] : memref<655360xf32, #tpu.memory_space<hbm>> -> memref<10240xf32, #tpu.memory_space<hbm>>
      tpu.enqueue_dma source(%dma_start3A_52 : memref<10240xf32, #tpu.memory_space<hbm>>) target(%dma_start3A_50 : memref<10240xf32, #tpu.memory_space<vmem>>) target_semaphore(%arg7 : memref<!tpu.dma_semaphore, #tpu.memory_space<semaphore_mem>>)
      %dma_start3A_53 = arith.constant 7 : i32
      %dma_start3A_54 = arith.constant 0 : i32
      %dma_start3A_55 = tpu.memref_slice %arg6[%dma_start3A_53, %dma_start3A_54] : memref<64x10240xf32, #tpu.memory_space<vmem>> -> memref<1x10240xf32, #tpu.memory_space<vmem>>
      %dma_start3A_56 = tpu.memref_squeeze %dma_start3A_55 : memref<1x10240xf32, #tpu.memory_space<vmem>> -> memref<10240xf32, #tpu.memory_space<vmem>>
      %dma_start3A_57 = arith.constant 71680 : i32
      %dma_start3A_58 = tpu.memref_slice %arg2[%dma_start3A_57] : memref<655360xf32, #tpu.memory_space<hbm>> -> memref<10240xf32, #tpu.memory_space<hbm>>
      tpu.enqueue_dma source(%dma_start3A_58 : memref<10240xf32, #tpu.memory_space<hbm>>) target(%dma_start3A_56 : memref<10240xf32, #tpu.memory_space<vmem>>) target_semaphore(%arg7 : memref<!tpu.dma_semaphore, #tpu.memory_space<semaphore_mem>>)
      %dma_start3A_59 = arith.constant 8 : i32
      %dma_start3A_60 = arith.constant 0 : i32
      %dma_start3A_61 = tpu.memref_slice %arg6[%dma_start3A_59, %dma_start3A_60] : memref<64x10240xf32, #tpu.memory_space<vmem>> -> memref<1x10240xf32, #tpu.memory_space<vmem>>
      %dma_start3A_62 = tpu.memref_squeeze %dma_start3A_61 : memref<1x10240xf32, #tpu.memory_space<vmem>> -> memref<10240xf32, #tpu.memory_space<vmem>>
      %dma_start3A_63 = arith.constant 81920 : i32
      %dma_start3A_64 = tpu.memref_slice %arg2[%dma_start3A_63] : memref<655360xf32, #tpu.memory_space<hbm>> -> memref<10240xf32, #tpu.memory_space<hbm>>
      tpu.enqueue_dma source(%dma_start3A_64 : memref<10240xf32, #tpu.memory_space<hbm>>) target(%dma_start3A_62 : memref<10240xf32, #tpu.memory_space<vmem>>) target_semaphore(%arg7 : memref<!tpu.dma_semaphore, #tpu.memory_space<semaphore_mem>>)
      %dma_start3A_65 = arith.constant 9 : i32
      %dma_start3A_66 = arith.constant 0 : i32
      %dma_start3A_67 = tpu.memref_slice %arg6[%dma_start3A_65, %dma_start3A_66] : memref<64x10240xf32, #tpu.memory_space<vmem>> -> memref<1x10240xf32, #tpu.memory_space<vmem>>
      %dma_start3A_68 = tpu.memref_squeeze %dma_start3A_67 : memref<1x10240xf32, #tpu.memory_space<vmem>> -> memref<10240xf32, #tpu.memory_space<vmem>>
      %dma_start3A_69 = arith.constant 92160 : i32
      %dma_start3A_70 = tpu.memref_slice %arg2[%dma_start3A_69] : memref<655360xf32, #tpu.memory_space<hbm>> -> memref<10240xf32, #tpu.memory_space<hbm>>
      tpu.enqueue_dma source(%dma_start3A_70 : memref<10240xf32, #tpu.memory_space<hbm>>) target(%dma_start3A_68 : memref<10240xf32, #tpu.memory_space<vmem>>) target_semaphore(%arg7 : memref<!tpu.dma_semaphore, #tpu.memory_space<semaphore_mem>>)
      %dma_start3A_71 = arith.constant 10 : i32
      %dma_start3A_72 = arith.constant 0 : i32
      %dma_start3A_73 = tpu.memref_slice %arg6[%dma_start3A_71, %dma_start3A_72] : memref<64x10240xf32, #tpu.memory_space<vmem>> -> memref<1x10240xf32, #tpu.memory_space<vmem>>
      %dma_start3A_74 = tpu.memref_squeeze %dma_start3A_73 : memref<1x10240xf32, #tpu.memory_space<vmem>> -> memref<10240xf32, #tpu.memory_space<vmem>>
      %dma_start3A_75 = arith.constant 102400 : i32
      %dma_start3A_76 = tpu.memref_slice %arg2[%dma_start3A_75] : memref<655360xf32, #tpu.memory_space<hbm>> -> memref<10240xf32, #tpu.memory_space<hbm>>
      tpu.enqueue_dma source(%dma_start3A_76 : memref<10240xf32, #tpu.memory_space<hbm>>) target(%dma_start3A_74 : memref<10240xf32, #tpu.memory_space<vmem>>) target_semaphore(%arg7 : memref<!tpu.dma_semaphore, #tpu.memory_space<semaphore_mem>>)
      %dma_start3A_77 = arith.constant 11 : i32
      %dma_start3A_78 = arith.constant 0 : i32
      %dma_start3A_79 = tpu.memref_slice %arg6[%dma_start3A_77, %dma_start3A_78] : memref<64x10240xf32, #tpu.memory_space<vmem>> -> memref<1x10240xf32, #tpu.memory_space<vmem>>
      %dma_start3A_80 = tpu.memref_squeeze %dma_start3A_79 : memref<1x10240xf32, #tpu.memory_space<vmem>> -> memref<10240xf32, #tpu.memory_space<vmem>>
      %dma_start3A_81 = arith.constant 112640 : i32
      %dma_start3A_82 = tpu.memref_slice %arg2[%dma_start3A_81] : memref<655360xf32, #tpu.memory_space<hbm>> -> memref<10240xf32, #tpu.memory_space<hbm>>
      tpu.enqueue_dma source(%dma_start3A_82 : memref<10240xf32, #tpu.memory_space<hbm>>) target(%dma_start3A_80 : memref<10240xf32, #tpu.memory_space<vmem>>) target_semaphore(%arg7 : memref<!tpu.dma_semaphore, #tpu.memory_space<semaphore_mem>>)
      %dma_start3A_83 = arith.constant 12 : i32
      %dma_start3A_84 = arith.constant 0 : i32
      %dma_start3A_85 = tpu.memref_slice %arg6[%dma_start3A_83, %dma_start3A_84] : memref<64x10240xf32, #tpu.memory_space<vmem>> -> memref<1x10240xf32, #tpu.memory_space<vmem>>
      %dma_start3A_86 = tpu.memref_squeeze %dma_start3A_85 : memref<1x10240xf32, #tpu.memory_space<vmem>> -> memref<10240xf32, #tpu.memory_space<vmem>>
      %dma_start3A_87 = arith.constant 122880 : i32
      %dma_start3A_88 = tpu.memref_slice %arg2[%dma_start3A_87] : memref<655360xf32, #tpu.memory_space<hbm>> -> memref<10240xf32, #tpu.memory_space<hbm>>
      tpu.enqueue_dma source(%dma_start3A_88 : memref<10240xf32, #tpu.memory_space<hbm>>) target(%dma_start3A_86 : memref<10240xf32, #tpu.memory_space<vmem>>) target_semaphore(%arg7 : memref<!tpu.dma_semaphore, #tpu.memory_space<semaphore_mem>>)
      %dma_start3A_89 = arith.constant 13 : i32
      %dma_start3A_90 = arith.constant 0 : i32
      %dma_start3A_91 = tpu.memref_slice %arg6[%dma_start3A_89, %dma_start3A_90] : memref<64x10240xf32, #tpu.memory_space<vmem>> -> memref<1x10240xf32, #tpu.memory_space<vmem>>
      %dma_start3A_92 = tpu.memref_squeeze %dma_start3A_91 : memref<1x10240xf32, #tpu.memory_space<vmem>> -> memref<10240xf32, #tpu.memory_space<vmem>>
      %dma_start3A_93 = arith.constant 133120 : i32
      %dma_start3A_94 = tpu.memref_slice %arg2[%dma_start3A_93] : memref<655360xf32, #tpu.memory_space<hbm>> -> memref<10240xf32, #tpu.memory_space<hbm>>
      tpu.enqueue_dma source(%dma_start3A_94 : memref<10240xf32, #tpu.memory_space<hbm>>) target(%dma_start3A_92 : memref<10240xf32, #tpu.memory_space<vmem>>) target_semaphore(%arg7 : memref<!tpu.dma_semaphore, #tpu.memory_space<semaphore_mem>>)
      %dma_start3A_95 = arith.constant 14 : i32
      %dma_start3A_96 = arith.constant 0 : i32
      %dma_start3A_97 = tpu.memref_slice %arg6[%dma_start3A_95, %dma_start3A_96] : memref<64x10240xf32, #tpu.memory_space<vmem>> -> memref<1x10240xf32, #tpu.memory_space<vmem>>
      %dma_start3A_98 = tpu.memref_squeeze %dma_start3A_97 : memref<1x10240xf32, #tpu.memory_space<vmem>> -> memref<10240xf32, #tpu.memory_space<vmem>>
      %dma_start3A_99 = arith.constant 143360 : i32
      %dma_start3A_100 = tpu.memref_slice %arg2[%dma_start3A_99] : memref<655360xf32, #tpu.memory_space<hbm>> -> memref<10240xf32, #tpu.memory_space<hbm>>
      tpu.enqueue_dma source(%dma_start3A_100 : memref<10240xf32, #tpu.memory_space<hbm>>) target(%dma_start3A_98 : memref<10240xf32, #tpu.memory_space<vmem>>) target_semaphore(%arg7 : memref<!tpu.dma_semaphore, #tpu.memory_space<semaphore_mem>>)
      %dma_start3A_101 = arith.constant 15 : i32
      %dma_start3A_102 = arith.constant 0 : i32
      %dma_start3A_103 = tpu.memref_slice %arg6[%dma_start3A_101, %dma_start3A_102] : memref<64x10240xf32, #tpu.memory_space<vmem>> -> memref<1x10240xf32, #tpu.memory_space<vmem>>
      %dma_start3A_104 = tpu.memref_squeeze %dma_start3A_103 : memref<1x10240xf32, #tpu.memory_space<vmem>> -> memref<10240xf32, #tpu.memory_space<vmem>>
      %dma_start3A_105 = arith.constant 153600 : i32
      %dma_start3A_106 = tpu.memref_slice %arg2[%dma_start3A_105] : memref<655360xf32, #tpu.memory_space<hbm>> -> memref<10240xf32, #tpu.memory_space<hbm>>
      tpu.enqueue_dma source(%dma_start3A_106 : memref<10240xf32, #tpu.memory_space<hbm>>) target(%dma_start3A_104 : memref<10240xf32, #tpu.memory_space<vmem>>) target_semaphore(%arg7 : memref<!tpu.dma_semaphore, #tpu.memory_space<semaphore_mem>>)
      %dma_start3A_107 = arith.constant 16 : i32
      %dma_start3A_108 = arith.constant 0 : i32
      %dma_start3A_109 = tpu.memref_slice %arg6[%dma_start3A_107, %dma_start3A_108] : memref<64x10240xf32, #tpu.memory_space<vmem>> -> memref<1x10240xf32, #tpu.memory_space<vmem>>
      %dma_start3A_110 = tpu.memref_squeeze %dma_start3A_109 : memref<1x10240xf32, #tpu.memory_space<vmem>> -> memref<10240xf32, #tpu.memory_space<vmem>>
      %dma_start3A_111 = arith.constant 163840 : i32
      %dma_start3A_112 = tpu.memref_slice %arg2[%dma_start3A_111] : memref<655360xf32, #tpu.memory_space<hbm>> -> memref<10240xf32, #tpu.memory_space<hbm>>
      tpu.enqueue_dma source(%dma_start3A_112 : memref<10240xf32, #tpu.memory_space<hbm>>) target(%dma_start3A_110 : memref<10240xf32, #tpu.memory_space<vmem>>) target_semaphore(%arg7 : memref<!tpu.dma_semaphore, #tpu.memory_space<semaphore_mem>>)
      %dma_start3A_113 = arith.constant 17 : i32
      %dma_start3A_114 = arith.constant 0 : i32
      %dma_start3A_115 = tpu.memref_slice %arg6[%dma_start3A_113, %dma_start3A_114] : memref<64x10240xf32, #tpu.memory_space<vmem>> -> memref<1x10240xf32, #tpu.memory_space<vmem>>
      %dma_start3A_116 = tpu.memref_squeeze %dma_start3A_115 : memref<1x10240xf32, #tpu.memory_space<vmem>> -> memref<10240xf32, #tpu.memory_space<vmem>>
      %dma_start3A_117 = arith.constant 174080 : i32
      %dma_start3A_118 = tpu.memref_slice %arg2[%dma_start3A_117] : memref<655360xf32, #tpu.memory_space<hbm>> -> memref<10240xf32, #tpu.memory_space<hbm>>
      tpu.enqueue_dma source(%dma_start3A_118 : memref<10240xf32, #tpu.memory_space<hbm>>) target(%dma_start3A_116 : memref<10240xf32, #tpu.memory_space<vmem>>) target_semaphore(%arg7 : memref<!tpu.dma_semaphore, #tpu.memory_space<semaphore_mem>>)
      %dma_start3A_119 = arith.constant 18 : i32
      %dma_start3A_120 = arith.constant 0 : i32
      %dma_start3A_121 = tpu.memref_slice %arg6[%dma_start3A_119, %dma_start3A_120] : memref<64x10240xf32, #tpu.memory_space<vmem>> -> memref<1x10240xf32, #tpu.memory_space<vmem>>
      %dma_start3A_122 = tpu.memref_squeeze %dma_start3A_121 : memref<1x10240xf32, #tpu.memory_space<vmem>> -> memref<10240xf32, #tpu.memory_space<vmem>>
      %dma_start3A_123 = arith.constant 184320 : i32
      %dma_start3A_124 = tpu.memref_slice %arg2[%dma_start3A_123] : memref<655360xf32, #tpu.memory_space<hbm>> -> memref<10240xf32, #tpu.memory_space<hbm>>
      tpu.enqueue_dma source(%dma_start3A_124 : memref<10240xf32, #tpu.memory_space<hbm>>) target(%dma_start3A_122 : memref<10240xf32, #tpu.memory_space<vmem>>) target_semaphore(%arg7 : memref<!tpu.dma_semaphore, #tpu.memory_space<semaphore_mem>>)
      %dma_start3A_125 = arith.constant 19 : i32
      %dma_start3A_126 = arith.constant 0 : i32
      %dma_start3A_127 = tpu.memref_slice %arg6[%dma_start3A_125, %dma_start3A_126] : memref<64x10240xf32, #tpu.memory_space<vmem>> -> memref<1x10240xf32, #tpu.memory_space<vmem>>
      %dma_start3A_128 = tpu.memref_squeeze %dma_start3A_127 : memref<1x10240xf32, #tpu.memory_space<vmem>> -> memref<10240xf32, #tpu.memory_space<vmem>>
      %dma_start3A_129 = arith.constant 194560 : i32
      %dma_start3A_130 = tpu.memref_slice %arg2[%dma_start3A_129] : memref<655360xf32, #tpu.memory_space<hbm>> -> memref<10240xf32, #tpu.memory_space<hbm>>
      tpu.enqueue_dma source(%dma_start3A_130 : memref<10240xf32, #tpu.memory_space<hbm>>) target(%dma_start3A_128 : memref<10240xf32, #tpu.memory_space<vmem>>) target_semaphore(%arg7 : memref<!tpu.dma_semaphore, #tpu.memory_space<semaphore_mem>>)
      %dma_start3A_131 = arith.constant 20 : i32
      %dma_start3A_132 = arith.constant 0 : i32
      %dma_start3A_133 = tpu.memref_slice %arg6[%dma_start3A_131, %dma_start3A_132] : memref<64x10240xf32, #tpu.memory_space<vmem>> -> memref<1x10240xf32, #tpu.memory_space<vmem>>
      %dma_start3A_134 = tpu.memref_squeeze %dma_start3A_133 : memref<1x10240xf32, #tpu.memory_space<vmem>> -> memref<10240xf32, #tpu.memory_space<vmem>>
      %dma_start3A_135 = arith.constant 204800 : i32
      %dma_start3A_136 = tpu.memref_slice %arg2[%dma_start3A_135] : memref<655360xf32, #tpu.memory_space<hbm>> -> memref<10240xf32, #tpu.memory_space<hbm>>
      tpu.enqueue_dma source(%dma_start3A_136 : memref<10240xf32, #tpu.memory_space<hbm>>) target(%dma_start3A_134 : memref<10240xf32, #tpu.memory_space<vmem>>) target_semaphore(%arg7 : memref<!tpu.dma_semaphore, #tpu.memory_space<semaphore_mem>>)
      %dma_start3A_137 = arith.constant 21 : i32
      %dma_start3A_138 = arith.constant 0 : i32
      %dma_start3A_139 = tpu.memref_slice %arg6[%dma_start3A_137, %dma_start3A_138] : memref<64x10240xf32, #tpu.memory_space<vmem>> -> memref<1x10240xf32, #tpu.memory_space<vmem>>
      %dma_start3A_140 = tpu.memref_squeeze %dma_start3A_139 : memref<1x10240xf32, #tpu.memory_space<vmem>> -> memref<10240xf32, #tpu.memory_space<vmem>>
      %dma_start3A_141 = arith.constant 215040 : i32
      %dma_start3A_142 = tpu.memref_slice %arg2[%dma_start3A_141] : memref<655360xf32, #tpu.memory_space<hbm>> -> memref<10240xf32, #tpu.memory_space<hbm>>
      tpu.enqueue_dma source(%dma_start3A_142 : memref<10240xf32, #tpu.memory_space<hbm>>) target(%dma_start3A_140 : memref<10240xf32, #tpu.memory_space<vmem>>) target_semaphore(%arg7 : memref<!tpu.dma_semaphore, #tpu.memory_space<semaphore_mem>>)
      %dma_start3A_143 = arith.constant 22 : i32
      %dma_start3A_144 = arith.constant 0 : i32
      %dma_start3A_145 = tpu.memref_slice %arg6[%dma_start3A_143, %dma_start3A_144] : memref<64x10240xf32, #tpu.memory_space<vmem>> -> memref<1x10240xf32, #tpu.memory_space<vmem>>
      %dma_start3A_146 = tpu.memref_squeeze %dma_start3A_145 : memref<1x10240xf32, #tpu.memory_space<vmem>> -> memref<10240xf32, #tpu.memory_space<vmem>>
      %dma_start3A_147 = arith.constant 225280 : i32
      %dma_start3A_148 = tpu.memref_slice %arg2[%dma_start3A_147] : memref<655360xf32, #tpu.memory_space<hbm>> -> memref<10240xf32, #tpu.memory_space<hbm>>
      tpu.enqueue_dma source(%dma_start3A_148 : memref<10240xf32, #tpu.memory_space<hbm>>) target(%dma_start3A_146 : memref<10240xf32, #tpu.memory_space<vmem>>) target_semaphore(%arg7 : memref<!tpu.dma_semaphore, #tpu.memory_space<semaphore_mem>>)
      %dma_start3A_149 = arith.constant 23 : i32
      %dma_start3A_150 = arith.constant 0 : i32
      %dma_start3A_151 = tpu.memref_slice %arg6[%dma_start3A_149, %dma_start3A_150] : memref<64x10240xf32, #tpu.memory_space<vmem>> -> memref<1x10240xf32, #tpu.memory_space<vmem>>
      %dma_start3A_152 = tpu.memref_squeeze %dma_start3A_151 : memref<1x10240xf32, #tpu.memory_space<vmem>> -> memref<10240xf32, #tpu.memory_space<vmem>>
      %dma_start3A_153 = arith.constant 235520 : i32
      %dma_start3A_154 = tpu.memref_slice %arg2[%dma_start3A_153] : memref<655360xf32, #tpu.memory_space<hbm>> -> memref<10240xf32, #tpu.memory_space<hbm>>
      tpu.enqueue_dma source(%dma_start3A_154 : memref<10240xf32, #tpu.memory_space<hbm>>) target(%dma_start3A_152 : memref<10240xf32, #tpu.memory_space<vmem>>) target_semaphore(%arg7 : memref<!tpu.dma_semaphore, #tpu.memory_space<semaphore_mem>>)
      %dma_start3A_155 = arith.constant 24 : i32
      %dma_start3A_156 = arith.constant 0 : i32
      %dma_start3A_157 = tpu.memref_slice %arg6[%dma_start3A_155, %dma_start3A_156] : memref<64x10240xf32, #tpu.memory_space<vmem>> -> memref<1x10240xf32, #tpu.memory_space<vmem>>
      %dma_start3A_158 = tpu.memref_squeeze %dma_start3A_157 : memref<1x10240xf32, #tpu.memory_space<vmem>> -> memref<10240xf32, #tpu.memory_space<vmem>>
      %dma_start3A_159 = arith.constant 245760 : i32
      %dma_start3A_160 = tpu.memref_slice %arg2[%dma_start3A_159] : memref<655360xf32, #tpu.memory_space<hbm>> -> memref<10240xf32, #tpu.memory_space<hbm>>
      tpu.enqueue_dma source(%dma_start3A_160 : memref<10240xf32, #tpu.memory_space<hbm>>) target(%dma_start3A_158 : memref<10240xf32, #tpu.memory_space<vmem>>) target_semaphore(%arg7 : memref<!tpu.dma_semaphore, #tpu.memory_space<semaphore_mem>>)
      %dma_start3A_161 = arith.constant 25 : i32
      %dma_start3A_162 = arith.constant 0 : i32
      %dma_start3A_163 = tpu.memref_slice %arg6[%dma_start3A_161, %dma_start3A_162] : memref<64x10240xf32, #tpu.memory_space<vmem>> -> memref<1x10240xf32, #tpu.memory_space<vmem>>
      %dma_start3A_164 = tpu.memref_squeeze %dma_start3A_163 : memref<1x10240xf32, #tpu.memory_space<vmem>> -> memref<10240xf32, #tpu.memory_space<vmem>>
      %dma_start3A_165 = arith.constant 256000 : i32
      %dma_start3A_166 = tpu.memref_slice %arg2[%dma_start3A_165] : memref<655360xf32, #tpu.memory_space<hbm>> -> memref<10240xf32, #tpu.memory_space<hbm>>
      tpu.enqueue_dma source(%dma_start3A_166 : memref<10240xf32, #tpu.memory_space<hbm>>) target(%dma_start3A_164 : memref<10240xf32, #tpu.memory_space<vmem>>) target_semaphore(%arg7 : memref<!tpu.dma_semaphore, #tpu.memory_space<semaphore_mem>>)
      %dma_start3A_167 = arith.constant 26 : i32
      %dma_start3A_168 = arith.constant 0 : i32
      %dma_start3A_169 = tpu.memref_slice %arg6[%dma_start3A_167, %dma_start3A_168] : memref<64x10240xf32, #tpu.memory_space<vmem>> -> memref<1x10240xf32, #tpu.memory_space<vmem>>
      %dma_start3A_170 = tpu.memref_squeeze %dma_start3A_169 : memref<1x10240xf32, #tpu.memory_space<vmem>> -> memref<10240xf32, #tpu.memory_space<vmem>>
      %dma_start3A_171 = arith.constant 266240 : i32
      %dma_start3A_172 = tpu.memref_slice %arg2[%dma_start3A_171] : memref<655360xf32, #tpu.memory_space<hbm>> -> memref<10240xf32, #tpu.memory_space<hbm>>
      tpu.enqueue_dma source(%dma_start3A_172 : memref<10240xf32, #tpu.memory_space<hbm>>) target(%dma_start3A_170 : memref<10240xf32, #tpu.memory_space<vmem>>) target_semaphore(%arg7 : memref<!tpu.dma_semaphore, #tpu.memory_space<semaphore_mem>>)
      %dma_start3A_173 = arith.constant 27 : i32
      %dma_start3A_174 = arith.constant 0 : i32
      %dma_start3A_175 = tpu.memref_slice %arg6[%dma_start3A_173, %dma_start3A_174] : memref<64x10240xf32, #tpu.memory_space<vmem>> -> memref<1x10240xf32, #tpu.memory_space<vmem>>
      %dma_start3A_176 = tpu.memref_squeeze %dma_start3A_175 : memref<1x10240xf32, #tpu.memory_space<vmem>> -> memref<10240xf32, #tpu.memory_space<vmem>>
      %dma_start3A_177 = arith.constant 276480 : i32
      %dma_start3A_178 = tpu.memref_slice %arg2[%dma_start3A_177] : memref<655360xf32, #tpu.memory_space<hbm>> -> memref<10240xf32, #tpu.memory_space<hbm>>
      tpu.enqueue_dma source(%dma_start3A_178 : memref<10240xf32, #tpu.memory_space<hbm>>) target(%dma_start3A_176 : memref<10240xf32, #tpu.memory_space<vmem>>) target_semaphore(%arg7 : memref<!tpu.dma_semaphore, #tpu.memory_space<semaphore_mem>>)
      %dma_start3A_179 = arith.constant 28 : i32
      %dma_start3A_180 = arith.constant 0 : i32
      %dma_start3A_181 = tpu.memref_slice %arg6[%dma_start3A_179, %dma_start3A_180] : memref<64x10240xf32, #tpu.memory_space<vmem>> -> memref<1x10240xf32, #tpu.memory_space<vmem>>
      %dma_start3A_182 = tpu.memref_squeeze %dma_start3A_181 : memref<1x10240xf32, #tpu.memory_space<vmem>> -> memref<10240xf32, #tpu.memory_space<vmem>>
      %dma_start3A_183 = arith.constant 286720 : i32
      %dma_start3A_184 = tpu.memref_slice %arg2[%dma_start3A_183] : memref<655360xf32, #tpu.memory_space<hbm>> -> memref<10240xf32, #tpu.memory_space<hbm>>
      tpu.enqueue_dma source(%dma_start3A_184 : memref<10240xf32, #tpu.memory_space<hbm>>) target(%dma_start3A_182 : memref<10240xf32, #tpu.memory_space<vmem>>) target_semaphore(%arg7 : memref<!tpu.dma_semaphore, #tpu.memory_space<semaphore_mem>>)
      %dma_start3A_185 = arith.constant 29 : i32
      %dma_start3A_186 = arith.constant 0 : i32
      %dma_start3A_187 = tpu.memref_slice %arg6[%dma_start3A_185, %dma_start3A_186] : memref<64x10240xf32, #tpu.memory_space<vmem>> -> memref<1x10240xf32, #tpu.memory_space<vmem>>
      %dma_start3A_188 = tpu.memref_squeeze %dma_start3A_187 : memref<1x10240xf32, #tpu.memory_space<vmem>> -> memref<10240xf32, #tpu.memory_space<vmem>>
      %dma_start3A_189 = arith.constant 296960 : i32
      %dma_start3A_190 = tpu.memref_slice %arg2[%dma_start3A_189] : memref<655360xf32, #tpu.memory_space<hbm>> -> memref<10240xf32, #tpu.memory_space<hbm>>
      tpu.enqueue_dma source(%dma_start3A_190 : memref<10240xf32, #tpu.memory_space<hbm>>) target(%dma_start3A_188 : memref<10240xf32, #tpu.memory_space<vmem>>) target_semaphore(%arg7 : memref<!tpu.dma_semaphore, #tpu.memory_space<semaphore_mem>>)
      %dma_start3A_191 = arith.constant 30 : i32
      %dma_start3A_192 = arith.constant 0 : i32
      %dma_start3A_193 = tpu.memref_slice %arg6[%dma_start3A_191, %dma_start3A_192] : memref<64x10240xf32, #tpu.memory_space<vmem>> -> memref<1x10240xf32, #tpu.memory_space<vmem>>
      %dma_start3A_194 = tpu.memref_squeeze %dma_start3A_193 : memref<1x10240xf32, #tpu.memory_space<vmem>> -> memref<10240xf32, #tpu.memory_space<vmem>>
      %dma_start3A_195 = arith.constant 307200 : i32
      %dma_start3A_196 = tpu.memref_slice %arg2[%dma_start3A_195] : memref<655360xf32, #tpu.memory_space<hbm>> -> memref<10240xf32, #tpu.memory_space<hbm>>
      tpu.enqueue_dma source(%dma_start3A_196 : memref<10240xf32, #tpu.memory_space<hbm>>) target(%dma_start3A_194 : memref<10240xf32, #tpu.memory_space<vmem>>) target_semaphore(%arg7 : memref<!tpu.dma_semaphore, #tpu.memory_space<semaphore_mem>>)
      %dma_start3A_197 = arith.constant 31 : i32
      %dma_start3A_198 = arith.constant 0 : i32
      %dma_start3A_199 = tpu.memref_slice %arg6[%dma_start3A_197, %dma_start3A_198] : memref<64x10240xf32, #tpu.memory_space<vmem>> -> memref<1x10240xf32, #tpu.memory_space<vmem>>
      %dma_start3A_200 = tpu.memref_squeeze %dma_start3A_199 : memref<1x10240xf32, #tpu.memory_space<vmem>> -> memref<10240xf32, #tpu.memory_space<vmem>>
      %dma_start3A_201 = arith.constant 317440 : i32
      %dma_start3A_202 = tpu.memref_slice %arg2[%dma_start3A_201] : memref<655360xf32, #tpu.memory_space<hbm>> -> memref<10240xf32, #tpu.memory_space<hbm>>
      tpu.enqueue_dma source(%dma_start3A_202 : memref<10240xf32, #tpu.memory_space<hbm>>) target(%dma_start3A_200 : memref<10240xf32, #tpu.memory_space<vmem>>) target_semaphore(%arg7 : memref<!tpu.dma_semaphore, #tpu.memory_space<semaphore_mem>>)
      %dma_start3A_203 = arith.constant 32 : i32
      %dma_start3A_204 = arith.constant 0 : i32
      %dma_start3A_205 = tpu.memref_slice %arg6[%dma_start3A_203, %dma_start3A_204] : memref<64x10240xf32, #tpu.memory_space<vmem>> -> memref<1x10240xf32, #tpu.memory_space<vmem>>
      %dma_start3A_206 = tpu.memref_squeeze %dma_start3A_205 : memref<1x10240xf32, #tpu.memory_space<vmem>> -> memref<10240xf32, #tpu.memory_space<vmem>>
      %dma_start3A_207 = arith.constant 327680 : i32
      %dma_start3A_208 = tpu.memref_slice %arg2[%dma_start3A_207] : memref<655360xf32, #tpu.memory_space<hbm>> -> memref<10240xf32, #tpu.memory_space<hbm>>
      tpu.enqueue_dma source(%dma_start3A_208 : memref<10240xf32, #tpu.memory_space<hbm>>) target(%dma_start3A_206 : memref<10240xf32, #tpu.memory_space<vmem>>) target_semaphore(%arg7 : memref<!tpu.dma_semaphore, #tpu.memory_space<semaphore_mem>>)
      %dma_start3A_209 = arith.constant 33 : i32
      %dma_start3A_210 = arith.constant 0 : i32
      %dma_start3A_211 = tpu.memref_slice %arg6[%dma_start3A_209, %dma_start3A_210] : memref<64x10240xf32, #tpu.memory_space<vmem>> -> memref<1x10240xf32, #tpu.memory_space<vmem>>
      %dma_start3A_212 = tpu.memref_squeeze %dma_start3A_211 : memref<1x10240xf32, #tpu.memory_space<vmem>> -> memref<10240xf32, #tpu.memory_space<vmem>>
      %dma_start3A_213 = arith.constant 337920 : i32
      %dma_start3A_214 = tpu.memref_slice %arg2[%dma_start3A_213] : memref<655360xf32, #tpu.memory_space<hbm>> -> memref<10240xf32, #tpu.memory_space<hbm>>
      tpu.enqueue_dma source(%dma_start3A_214 : memref<10240xf32, #tpu.memory_space<hbm>>) target(%dma_start3A_212 : memref<10240xf32, #tpu.memory_space<vmem>>) target_semaphore(%arg7 : memref<!tpu.dma_semaphore, #tpu.memory_space<semaphore_mem>>)
      %dma_start3A_215 = arith.constant 34 : i32
      %dma_start3A_216 = arith.constant 0 : i32
      %dma_start3A_217 = tpu.memref_slice %arg6[%dma_start3A_215, %dma_start3A_216] : memref<64x10240xf32, #tpu.memory_space<vmem>> -> memref<1x10240xf32, #tpu.memory_space<vmem>>
      %dma_start3A_218 = tpu.memref_squeeze %dma_start3A_217 : memref<1x10240xf32, #tpu.memory_space<vmem>> -> memref<10240xf32, #tpu.memory_space<vmem>>
      %dma_start3A_219 = arith.constant 348160 : i32
      %dma_start3A_220 = tpu.memref_slice %arg2[%dma_start3A_219] : memref<655360xf32, #tpu.memory_space<hbm>> -> memref<10240xf32, #tpu.memory_space<hbm>>
      tpu.enqueue_dma source(%dma_start3A_220 : memref<10240xf32, #tpu.memory_space<hbm>>) target(%dma_start3A_218 : memref<10240xf32, #tpu.memory_space<vmem>>) target_semaphore(%arg7 : memref<!tpu.dma_semaphore, #tpu.memory_space<semaphore_mem>>)
      %dma_start3A_221 = arith.constant 35 : i32
      %dma_start3A_222 = arith.constant 0 : i32
      %dma_start3A_223 = tpu.memref_slice %arg6[%dma_start3A_221, %dma_start3A_222] : memref<64x10240xf32, #tpu.memory_space<vmem>> -> memref<1x10240xf32, #tpu.memory_space<vmem>>
      %dma_start3A_224 = tpu.memref_squeeze %dma_start3A_223 : memref<1x10240xf32, #tpu.memory_space<vmem>> -> memref<10240xf32, #tpu.memory_space<vmem>>
      %dma_start3A_225 = arith.constant 358400 : i32
      %dma_start3A_226 = tpu.memref_slice %arg2[%dma_start3A_225] : memref<655360xf32, #tpu.memory_space<hbm>> -> memref<10240xf32, #tpu.memory_space<hbm>>
      tpu.enqueue_dma source(%dma_start3A_226 : memref<10240xf32, #tpu.memory_space<hbm>>) target(%dma_start3A_224 : memref<10240xf32, #tpu.memory_space<vmem>>) target_semaphore(%arg7 : memref<!tpu.dma_semaphore, #tpu.memory_space<semaphore_mem>>)
      %dma_start3A_227 = arith.constant 36 : i32
      %dma_start3A_228 = arith.constant 0 : i32
      %dma_start3A_229 = tpu.memref_slice %arg6[%dma_start3A_227, %dma_start3A_228] : memref<64x10240xf32, #tpu.memory_space<vmem>> -> memref<1x10240xf32, #tpu.memory_space<vmem>>
      %dma_start3A_230 = tpu.memref_squeeze %dma_start3A_229 : memref<1x10240xf32, #tpu.memory_space<vmem>> -> memref<10240xf32, #tpu.memory_space<vmem>>
      %dma_start3A_231 = arith.constant 368640 : i32
      %dma_start3A_232 = tpu.memref_slice %arg2[%dma_start3A_231] : memref<655360xf32, #tpu.memory_space<hbm>> -> memref<10240xf32, #tpu.memory_space<hbm>>
      tpu.enqueue_dma source(%dma_start3A_232 : memref<10240xf32, #tpu.memory_space<hbm>>) target(%dma_start3A_230 : memref<10240xf32, #tpu.memory_space<vmem>>) target_semaphore(%arg7 : memref<!tpu.dma_semaphore, #tpu.memory_space<semaphore_mem>>)
      %dma_start3A_233 = arith.constant 37 : i32
      %dma_start3A_234 = arith.constant 0 : i32
      %dma_start3A_235 = tpu.memref_slice %arg6[%dma_start3A_233, %dma_start3A_234] : memref<64x10240xf32, #tpu.memory_space<vmem>> -> memref<1x10240xf32, #tpu.memory_space<vmem>>
      %dma_start3A_236 = tpu.memref_squeeze %dma_start3A_235 : memref<1x10240xf32, #tpu.memory_space<vmem>> -> memref<10240xf32, #tpu.memory_space<vmem>>
      %dma_start3A_237 = arith.constant 378880 : i32
      %dma_start3A_238 = tpu.memref_slice %arg2[%dma_start3A_237] : memref<655360xf32, #tpu.memory_space<hbm>> -> memref<10240xf32, #tpu.memory_space<hbm>>
      tpu.enqueue_dma source(%dma_start3A_238 : memref<10240xf32, #tpu.memory_space<hbm>>) target(%dma_start3A_236 : memref<10240xf32, #tpu.memory_space<vmem>>) target_semaphore(%arg7 : memref<!tpu.dma_semaphore, #tpu.memory_space<semaphore_mem>>)
      %dma_start3A_239 = arith.constant 38 : i32
      %dma_start3A_240 = arith.constant 0 : i32
      %dma_start3A_241 = tpu.memref_slice %arg6[%dma_start3A_239, %dma_start3A_240] : memref<64x10240xf32, #tpu.memory_space<vmem>> -> memref<1x10240xf32, #tpu.memory_space<vmem>>
      %dma_start3A_242 = tpu.memref_squeeze %dma_start3A_241 : memref<1x10240xf32, #tpu.memory_space<vmem>> -> memref<10240xf32, #tpu.memory_space<vmem>>
      %dma_start3A_243 = arith.constant 389120 : i32
      %dma_start3A_244 = tpu.memref_slice %arg2[%dma_start3A_243] : memref<655360xf32, #tpu.memory_space<hbm>> -> memref<10240xf32, #tpu.memory_space<hbm>>
      tpu.enqueue_dma source(%dma_start3A_244 : memref<10240xf32, #tpu.memory_space<hbm>>) target(%dma_start3A_242 : memref<10240xf32, #tpu.memory_space<vmem>>) target_semaphore(%arg7 : memref<!tpu.dma_semaphore, #tpu.memory_space<semaphore_mem>>)
      %dma_start3A_245 = arith.constant 39 : i32
      %dma_start3A_246 = arith.constant 0 : i32
      %dma_start3A_247 = tpu.memref_slice %arg6[%dma_start3A_245, %dma_start3A_246] : memref<64x10240xf32, #tpu.memory_space<vmem>> -> memref<1x10240xf32, #tpu.memory_space<vmem>>
      %dma_start3A_248 = tpu.memref_squeeze %dma_start3A_247 : memref<1x10240xf32, #tpu.memory_space<vmem>> -> memref<10240xf32, #tpu.memory_space<vmem>>
      %dma_start3A_249 = arith.constant 399360 : i32
      %dma_start3A_250 = tpu.memref_slice %arg2[%dma_start3A_249] : memref<655360xf32, #tpu.memory_space<hbm>> -> memref<10240xf32, #tpu.memory_space<hbm>>
      tpu.enqueue_dma source(%dma_start3A_250 : memref<10240xf32, #tpu.memory_space<hbm>>) target(%dma_start3A_248 : memref<10240xf32, #tpu.memory_space<vmem>>) target_semaphore(%arg7 : memref<!tpu.dma_semaphore, #tpu.memory_space<semaphore_mem>>)
      %dma_start3A_251 = arith.constant 40 : i32
      %dma_start3A_252 = arith.constant 0 : i32
      %dma_start3A_253 = tpu.memref_slice %arg6[%dma_start3A_251, %dma_start3A_252] : memref<64x10240xf32, #tpu.memory_space<vmem>> -> memref<1x10240xf32, #tpu.memory_space<vmem>>
      %dma_start3A_254 = tpu.memref_squeeze %dma_start3A_253 : memref<1x10240xf32, #tpu.memory_space<vmem>> -> memref<10240xf32, #tpu.memory_space<vmem>>
      %dma_start3A_255 = arith.constant 409600 : i32
      %dma_start3A_256 = tpu.memref_slice %arg2[%dma_start3A_255] : memref<655360xf32, #tpu.memory_space<hbm>> -> memref<10240xf32, #tpu.memory_space<hbm>>
      tpu.enqueue_dma source(%dma_start3A_256 : memref<10240xf32, #tpu.memory_space<hbm>>) target(%dma_start3A_254 : memref<10240xf32, #tpu.memory_space<vmem>>) target_semaphore(%arg7 : memref<!tpu.dma_semaphore, #tpu.memory_space<semaphore_mem>>)
      %dma_start3A_257 = arith.constant 41 : i32
      %dma_start3A_258 = arith.constant 0 : i32
      %dma_start3A_259 = tpu.memref_slice %arg6[%dma_start3A_257, %dma_start3A_258] : memref<64x10240xf32, #tpu.memory_space<vmem>> -> memref<1x10240xf32, #tpu.memory_space<vmem>>
      %dma_start3A_260 = tpu.memref_squeeze %dma_start3A_259 : memref<1x10240xf32, #tpu.memory_space<vmem>> -> memref<10240xf32, #tpu.memory_space<vmem>>
      %dma_start3A_261 = arith.constant 419840 : i32
      %dma_start3A_262 = tpu.memref_slice %arg2[%dma_start3A_261] : memref<655360xf32, #tpu.memory_space<hbm>> -> memref<10240xf32, #tpu.memory_space<hbm>>
      tpu.enqueue_dma source(%dma_start3A_262 : memref<10240xf32, #tpu.memory_space<hbm>>) target(%dma_start3A_260 : memref<10240xf32, #tpu.memory_space<vmem>>) target_semaphore(%arg7 : memref<!tpu.dma_semaphore, #tpu.memory_space<semaphore_mem>>)
      %dma_start3A_263 = arith.constant 42 : i32
      %dma_start3A_264 = arith.constant 0 : i32
      %dma_start3A_265 = tpu.memref_slice %arg6[%dma_start3A_263, %dma_start3A_264] : memref<64x10240xf32, #tpu.memory_space<vmem>> -> memref<1x10240xf32, #tpu.memory_space<vmem>>
      %dma_start3A_266 = tpu.memref_squeeze %dma_start3A_265 : memref<1x10240xf32, #tpu.memory_space<vmem>> -> memref<10240xf32, #tpu.memory_space<vmem>>
      %dma_start3A_267 = arith.constant 430080 : i32
      %dma_start3A_268 = tpu.memref_slice %arg2[%dma_start3A_267] : memref<655360xf32, #tpu.memory_space<hbm>> -> memref<10240xf32, #tpu.memory_space<hbm>>
      tpu.enqueue_dma source(%dma_start3A_268 : memref<10240xf32, #tpu.memory_space<hbm>>) target(%dma_start3A_266 : memref<10240xf32, #tpu.memory_space<vmem>>) target_semaphore(%arg7 : memref<!tpu.dma_semaphore, #tpu.memory_space<semaphore_mem>>)
      %dma_start3A_269 = arith.constant 43 : i32
      %dma_start3A_270 = arith.constant 0 : i32
      %dma_start3A_271 = tpu.memref_slice %arg6[%dma_start3A_269, %dma_start3A_270] : memref<64x10240xf32, #tpu.memory_space<vmem>> -> memref<1x10240xf32, #tpu.memory_space<vmem>>
      %dma_start3A_272 = tpu.memref_squeeze %dma_start3A_271 : memref<1x10240xf32, #tpu.memory_space<vmem>> -> memref<10240xf32, #tpu.memory_space<vmem>>
      %dma_start3A_273 = arith.constant 440320 : i32
      %dma_start3A_274 = tpu.memref_slice %arg2[%dma_start3A_273] : memref<655360xf32, #tpu.memory_space<hbm>> -> memref<10240xf32, #tpu.memory_space<hbm>>
      tpu.enqueue_dma source(%dma_start3A_274 : memref<10240xf32, #tpu.memory_space<hbm>>) target(%dma_start3A_272 : memref<10240xf32, #tpu.memory_space<vmem>>) target_semaphore(%arg7 : memref<!tpu.dma_semaphore, #tpu.memory_space<semaphore_mem>>)
      %dma_start3A_275 = arith.constant 44 : i32
      %dma_start3A_276 = arith.constant 0 : i32
      %dma_start3A_277 = tpu.memref_slice %arg6[%dma_start3A_275, %dma_start3A_276] : memref<64x10240xf32, #tpu.memory_space<vmem>> -> memref<1x10240xf32, #tpu.memory_space<vmem>>
      %dma_start3A_278 = tpu.memref_squeeze %dma_start3A_277 : memref<1x10240xf32, #tpu.memory_space<vmem>> -> memref<10240xf32, #tpu.memory_space<vmem>>
      %dma_start3A_279 = arith.constant 450560 : i32
      %dma_start3A_280 = tpu.memref_slice %arg2[%dma_start3A_279] : memref<655360xf32, #tpu.memory_space<hbm>> -> memref<10240xf32, #tpu.memory_space<hbm>>
      tpu.enqueue_dma source(%dma_start3A_280 : memref<10240xf32, #tpu.memory_space<hbm>>) target(%dma_start3A_278 : memref<10240xf32, #tpu.memory_space<vmem>>) target_semaphore(%arg7 : memref<!tpu.dma_semaphore, #tpu.memory_space<semaphore_mem>>)
      %dma_start3A_281 = arith.constant 45 : i32
      %dma_start3A_282 = arith.constant 0 : i32
      %dma_start3A_283 = tpu.memref_slice %arg6[%dma_start3A_281, %dma_start3A_282] : memref<64x10240xf32, #tpu.memory_space<vmem>> -> memref<1x10240xf32, #tpu.memory_space<vmem>>
      %dma_start3A_284 = tpu.memref_squeeze %dma_start3A_283 : memref<1x10240xf32, #tpu.memory_space<vmem>> -> memref<10240xf32, #tpu.memory_space<vmem>>
      %dma_start3A_285 = arith.constant 460800 : i32
      %dma_start3A_286 = tpu.memref_slice %arg2[%dma_start3A_285] : memref<655360xf32, #tpu.memory_space<hbm>> -> memref<10240xf32, #tpu.memory_space<hbm>>
      tpu.enqueue_dma source(%dma_start3A_286 : memref<10240xf32, #tpu.memory_space<hbm>>) target(%dma_start3A_284 : memref<10240xf32, #tpu.memory_space<vmem>>) target_semaphore(%arg7 : memref<!tpu.dma_semaphore, #tpu.memory_space<semaphore_mem>>)
      %dma_start3A_287 = arith.constant 46 : i32
      %dma_start3A_288 = arith.constant 0 : i32
      %dma_start3A_289 = tpu.memref_slice %arg6[%dma_start3A_287, %dma_start3A_288] : memref<64x10240xf32, #tpu.memory_space<vmem>> -> memref<1x10240xf32, #tpu.memory_space<vmem>>
      %dma_start3A_290 = tpu.memref_squeeze %dma_start3A_289 : memref<1x10240xf32, #tpu.memory_space<vmem>> -> memref<10240xf32, #tpu.memory_space<vmem>>
      %dma_start3A_291 = arith.constant 471040 : i32
      %dma_start3A_292 = tpu.memref_slice %arg2[%dma_start3A_291] : memref<655360xf32, #tpu.memory_space<hbm>> -> memref<10240xf32, #tpu.memory_space<hbm>>
      tpu.enqueue_dma source(%dma_start3A_292 : memref<10240xf32, #tpu.memory_space<hbm>>) target(%dma_start3A_290 : memref<10240xf32, #tpu.memory_space<vmem>>) target_semaphore(%arg7 : memref<!tpu.dma_semaphore, #tpu.memory_space<semaphore_mem>>)
      %dma_start3A_293 = arith.constant 47 : i32
      %dma_start3A_294 = arith.constant 0 : i32
      %dma_start3A_295 = tpu.memref_slice %arg6[%dma_start3A_293, %dma_start3A_294] : memref<64x10240xf32, #tpu.memory_space<vmem>> -> memref<1x10240xf32, #tpu.memory_space<vmem>>
      %dma_start3A_296 = tpu.memref_squeeze %dma_start3A_295 : memref<1x10240xf32, #tpu.memory_space<vmem>> -> memref<10240xf32, #tpu.memory_space<vmem>>
      %dma_start3A_297 = arith.constant 481280 : i32
      %dma_start3A_298 = tpu.memref_slice %arg2[%dma_start3A_297] : memref<655360xf32, #tpu.memory_space<hbm>> -> memref<10240xf32, #tpu.memory_space<hbm>>
      tpu.enqueue_dma source(%dma_start3A_298 : memref<10240xf32, #tpu.memory_space<hbm>>) target(%dma_start3A_296 : memref<10240xf32, #tpu.memory_space<vmem>>) target_semaphore(%arg7 : memref<!tpu.dma_semaphore, #tpu.memory_space<semaphore_mem>>)
      %dma_start3A_299 = arith.constant 48 : i32
      %dma_start3A_300 = arith.constant 0 : i32
      %dma_start3A_301 = tpu.memref_slice %arg6[%dma_start3A_299, %dma_start3A_300] : memref<64x10240xf32, #tpu.memory_space<vmem>> -> memref<1x10240xf32, #tpu.memory_space<vmem>>
      %dma_start3A_302 = tpu.memref_squeeze %dma_start3A_301 : memref<1x10240xf32, #tpu.memory_space<vmem>> -> memref<10240xf32, #tpu.memory_space<vmem>>
      %dma_start3A_303 = arith.constant 491520 : i32
      %dma_start3A_304 = tpu.memref_slice %arg2[%dma_start3A_303] : memref<655360xf32, #tpu.memory_space<hbm>> -> memref<10240xf32, #tpu.memory_space<hbm>>
      tpu.enqueue_dma source(%dma_start3A_304 : memref<10240xf32, #tpu.memory_space<hbm>>) target(%dma_start3A_302 : memref<10240xf32, #tpu.memory_space<vmem>>) target_semaphore(%arg7 : memref<!tpu.dma_semaphore, #tpu.memory_space<semaphore_mem>>)
      %dma_start3A_305 = arith.constant 49 : i32
      %dma_start3A_306 = arith.constant 0 : i32
      %dma_start3A_307 = tpu.memref_slice %arg6[%dma_start3A_305, %dma_start3A_306] : memref<64x10240xf32, #tpu.memory_space<vmem>> -> memref<1x10240xf32, #tpu.memory_space<vmem>>
      %dma_start3A_308 = tpu.memref_squeeze %dma_start3A_307 : memref<1x10240xf32, #tpu.memory_space<vmem>> -> memref<10240xf32, #tpu.memory_space<vmem>>
      %dma_start3A_309 = arith.constant 501760 : i32
      %dma_start3A_310 = tpu.memref_slice %arg2[%dma_start3A_309] : memref<655360xf32, #tpu.memory_space<hbm>> -> memref<10240xf32, #tpu.memory_space<hbm>>
      tpu.enqueue_dma source(%dma_start3A_310 : memref<10240xf32, #tpu.memory_space<hbm>>) target(%dma_start3A_308 : memref<10240xf32, #tpu.memory_space<vmem>>) target_semaphore(%arg7 : memref<!tpu.dma_semaphore, #tpu.memory_space<semaphore_mem>>)
      %dma_start3A_311 = arith.constant 50 : i32
      %dma_start3A_312 = arith.constant 0 : i32
      %dma_start3A_313 = tpu.memref_slice %arg6[%dma_start3A_311, %dma_start3A_312] : memref<64x10240xf32, #tpu.memory_space<vmem>> -> memref<1x10240xf32, #tpu.memory_space<vmem>>
      %dma_start3A_314 = tpu.memref_squeeze %dma_start3A_313 : memref<1x10240xf32, #tpu.memory_space<vmem>> -> memref<10240xf32, #tpu.memory_space<vmem>>
      %dma_start3A_315 = arith.constant 512000 : i32
      %dma_start3A_316 = tpu.memref_slice %arg2[%dma_start3A_315] : memref<655360xf32, #tpu.memory_space<hbm>> -> memref<10240xf32, #tpu.memory_space<hbm>>
      tpu.enqueue_dma source(%dma_start3A_316 : memref<10240xf32, #tpu.memory_space<hbm>>) target(%dma_start3A_314 : memref<10240xf32, #tpu.memory_space<vmem>>) target_semaphore(%arg7 : memref<!tpu.dma_semaphore, #tpu.memory_space<semaphore_mem>>)
      %dma_start3A_317 = arith.constant 51 : i32
      %dma_start3A_318 = arith.constant 0 : i32
      %dma_start3A_319 = tpu.memref_slice %arg6[%dma_start3A_317, %dma_start3A_318] : memref<64x10240xf32, #tpu.memory_space<vmem>> -> memref<1x10240xf32, #tpu.memory_space<vmem>>
      %dma_start3A_320 = tpu.memref_squeeze %dma_start3A_319 : memref<1x10240xf32, #tpu.memory_space<vmem>> -> memref<10240xf32, #tpu.memory_space<vmem>>
      %dma_start3A_321 = arith.constant 522240 : i32
      %dma_start3A_322 = tpu.memref_slice %arg2[%dma_start3A_321] : memref<655360xf32, #tpu.memory_space<hbm>> -> memref<10240xf32, #tpu.memory_space<hbm>>
      tpu.enqueue_dma source(%dma_start3A_322 : memref<10240xf32, #tpu.memory_space<hbm>>) target(%dma_start3A_320 : memref<10240xf32, #tpu.memory_space<vmem>>) target_semaphore(%arg7 : memref<!tpu.dma_semaphore, #tpu.memory_space<semaphore_mem>>)
      %dma_start3A_323 = arith.constant 52 : i32
      %dma_start3A_324 = arith.constant 0 : i32
      %dma_start3A_325 = tpu.memref_slice %arg6[%dma_start3A_323, %dma_start3A_324] : memref<64x10240xf32, #tpu.memory_space<vmem>> -> memref<1x10240xf32, #tpu.memory_space<vmem>>
      %dma_start3A_326 = tpu.memref_squeeze %dma_start3A_325 : memref<1x10240xf32, #tpu.memory_space<vmem>> -> memref<10240xf32, #tpu.memory_space<vmem>>
      %dma_start3A_327 = arith.constant 532480 : i32
      %dma_start3A_328 = tpu.memref_slice %arg2[%dma_start3A_327] : memref<655360xf32, #tpu.memory_space<hbm>> -> memref<10240xf32, #tpu.memory_space<hbm>>
      tpu.enqueue_dma source(%dma_start3A_328 : memref<10240xf32, #tpu.memory_space<hbm>>) target(%dma_start3A_326 : memref<10240xf32, #tpu.memory_space<vmem>>) target_semaphore(%arg7 : memref<!tpu.dma_semaphore, #tpu.memory_space<semaphore_mem>>)
      %dma_start3A_329 = arith.constant 53 : i32
      %dma_start3A_330 = arith.constant 0 : i32
      %dma_start3A_331 = tpu.memref_slice %arg6[%dma_start3A_329, %dma_start3A_330] : memref<64x10240xf32, #tpu.memory_space<vmem>> -> memref<1x10240xf32, #tpu.memory_space<vmem>>
      %dma_start3A_332 = tpu.memref_squeeze %dma_start3A_331 : memref<1x10240xf32, #tpu.memory_space<vmem>> -> memref<10240xf32, #tpu.memory_space<vmem>>
      %dma_start3A_333 = arith.constant 542720 : i32
      %dma_start3A_334 = tpu.memref_slice %arg2[%dma_start3A_333] : memref<655360xf32, #tpu.memory_space<hbm>> -> memref<10240xf32, #tpu.memory_space<hbm>>
      tpu.enqueue_dma source(%dma_start3A_334 : memref<10240xf32, #tpu.memory_space<hbm>>) target(%dma_start3A_332 : memref<10240xf32, #tpu.memory_space<vmem>>) target_semaphore(%arg7 : memref<!tpu.dma_semaphore, #tpu.memory_space<semaphore_mem>>)
      %dma_start3A_335 = arith.constant 54 : i32
      %dma_start3A_336 = arith.constant 0 : i32
      %dma_start3A_337 = tpu.memref_slice %arg6[%dma_start3A_335, %dma_start3A_336] : memref<64x10240xf32, #tpu.memory_space<vmem>> -> memref<1x10240xf32, #tpu.memory_space<vmem>>
      %dma_start3A_338 = tpu.memref_squeeze %dma_start3A_337 : memref<1x10240xf32, #tpu.memory_space<vmem>> -> memref<10240xf32, #tpu.memory_space<vmem>>
      %dma_start3A_339 = arith.constant 552960 : i32
      %dma_start3A_340 = tpu.memref_slice %arg2[%dma_start3A_339] : memref<655360xf32, #tpu.memory_space<hbm>> -> memref<10240xf32, #tpu.memory_space<hbm>>
      tpu.enqueue_dma source(%dma_start3A_340 : memref<10240xf32, #tpu.memory_space<hbm>>) target(%dma_start3A_338 : memref<10240xf32, #tpu.memory_space<vmem>>) target_semaphore(%arg7 : memref<!tpu.dma_semaphore, #tpu.memory_space<semaphore_mem>>)
      %dma_start3A_341 = arith.constant 55 : i32
      %dma_start3A_342 = arith.constant 0 : i32
      %dma_start3A_343 = tpu.memref_slice %arg6[%dma_start3A_341, %dma_start3A_342] : memref<64x10240xf32, #tpu.memory_space<vmem>> -> memref<1x10240xf32, #tpu.memory_space<vmem>>
      %dma_start3A_344 = tpu.memref_squeeze %dma_start3A_343 : memref<1x10240xf32, #tpu.memory_space<vmem>> -> memref<10240xf32, #tpu.memory_space<vmem>>
      %dma_start3A_345 = arith.constant 563200 : i32
      %dma_start3A_346 = tpu.memref_slice %arg2[%dma_start3A_345] : memref<655360xf32, #tpu.memory_space<hbm>> -> memref<10240xf32, #tpu.memory_space<hbm>>
      tpu.enqueue_dma source(%dma_start3A_346 : memref<10240xf32, #tpu.memory_space<hbm>>) target(%dma_start3A_344 : memref<10240xf32, #tpu.memory_space<vmem>>) target_semaphore(%arg7 : memref<!tpu.dma_semaphore, #tpu.memory_space<semaphore_mem>>)
      %dma_start3A_347 = arith.constant 56 : i32
      %dma_start3A_348 = arith.constant 0 : i32
      %dma_start3A_349 = tpu.memref_slice %arg6[%dma_start3A_347, %dma_start3A_348] : memref<64x10240xf32, #tpu.memory_space<vmem>> -> memref<1x10240xf32, #tpu.memory_space<vmem>>
      %dma_start3A_350 = tpu.memref_squeeze %dma_start3A_349 : memref<1x10240xf32, #tpu.memory_space<vmem>> -> memref<10240xf32, #tpu.memory_space<vmem>>
      %dma_start3A_351 = arith.constant 573440 : i32
      %dma_start3A_352 = tpu.memref_slice %arg2[%dma_start3A_351] : memref<655360xf32, #tpu.memory_space<hbm>> -> memref<10240xf32, #tpu.memory_space<hbm>>
      tpu.enqueue_dma source(%dma_start3A_352 : memref<10240xf32, #tpu.memory_space<hbm>>) target(%dma_start3A_350 : memref<10240xf32, #tpu.memory_space<vmem>>) target_semaphore(%arg7 : memref<!tpu.dma_semaphore, #tpu.memory_space<semaphore_mem>>)
      %dma_start3A_353 = arith.constant 57 : i32
      %dma_start3A_354 = arith.constant 0 : i32
      %dma_start3A_355 = tpu.memref_slice %arg6[%dma_start3A_353, %dma_start3A_354] : memref<64x10240xf32, #tpu.memory_space<vmem>> -> memref<1x10240xf32, #tpu.memory_space<vmem>>
      %dma_start3A_356 = tpu.memref_squeeze %dma_start3A_355 : memref<1x10240xf32, #tpu.memory_space<vmem>> -> memref<10240xf32, #tpu.memory_space<vmem>>
      %dma_start3A_357 = arith.constant 583680 : i32
      %dma_start3A_358 = tpu.memref_slice %arg2[%dma_start3A_357] : memref<655360xf32, #tpu.memory_space<hbm>> -> memref<10240xf32, #tpu.memory_space<hbm>>
      tpu.enqueue_dma source(%dma_start3A_358 : memref<10240xf32, #tpu.memory_space<hbm>>) target(%dma_start3A_356 : memref<10240xf32, #tpu.memory_space<vmem>>) target_semaphore(%arg7 : memref<!tpu.dma_semaphore, #tpu.memory_space<semaphore_mem>>)
      %dma_start3A_359 = arith.constant 58 : i32
      %dma_start3A_360 = arith.constant 0 : i32
      %dma_start3A_361 = tpu.memref_slice %arg6[%dma_start3A_359, %dma_start3A_360] : memref<64x10240xf32, #tpu.memory_space<vmem>> -> memref<1x10240xf32, #tpu.memory_space<vmem>>
      %dma_start3A_362 = tpu.memref_squeeze %dma_start3A_361 : memref<1x10240xf32, #tpu.memory_space<vmem>> -> memref<10240xf32, #tpu.memory_space<vmem>>
      %dma_start3A_363 = arith.constant 593920 : i32
      %dma_start3A_364 = tpu.memref_slice %arg2[%dma_start3A_363] : memref<655360xf32, #tpu.memory_space<hbm>> -> memref<10240xf32, #tpu.memory_space<hbm>>
      tpu.enqueue_dma source(%dma_start3A_364 : memref<10240xf32, #tpu.memory_space<hbm>>) target(%dma_start3A_362 : memref<10240xf32, #tpu.memory_space<vmem>>) target_semaphore(%arg7 : memref<!tpu.dma_semaphore, #tpu.memory_space<semaphore_mem>>)
      %dma_start3A_365 = arith.constant 59 : i32
      %dma_start3A_366 = arith.constant 0 : i32
      %dma_start3A_367 = tpu.memref_slice %arg6[%dma_start3A_365, %dma_start3A_366] : memref<64x10240xf32, #tpu.memory_space<vmem>> -> memref<1x10240xf32, #tpu.memory_space<vmem>>
      %dma_start3A_368 = tpu.memref_squeeze %dma_start3A_367 : memref<1x10240xf32, #tpu.memory_space<vmem>> -> memref<10240xf32, #tpu.memory_space<vmem>>
      %dma_start3A_369 = arith.constant 604160 : i32
      %dma_start3A_370 = tpu.memref_slice %arg2[%dma_start3A_369] : memref<655360xf32, #tpu.memory_space<hbm>> -> memref<10240xf32, #tpu.memory_space<hbm>>
      tpu.enqueue_dma source(%dma_start3A_370 : memref<10240xf32, #tpu.memory_space<hbm>>) target(%dma_start3A_368 : memref<10240xf32, #tpu.memory_space<vmem>>) target_semaphore(%arg7 : memref<!tpu.dma_semaphore, #tpu.memory_space<semaphore_mem>>)
      %dma_start3A_371 = arith.constant 60 : i32
      %dma_start3A_372 = arith.constant 0 : i32
      %dma_start3A_373 = tpu.memref_slice %arg6[%dma_start3A_371, %dma_start3A_372] : memref<64x10240xf32, #tpu.memory_space<vmem>> -> memref<1x10240xf32, #tpu.memory_space<vmem>>
      %dma_start3A_374 = tpu.memref_squeeze %dma_start3A_373 : memref<1x10240xf32, #tpu.memory_space<vmem>> -> memref<10240xf32, #tpu.memory_space<vmem>>
      %dma_start3A_375 = arith.constant 614400 : i32
      %dma_start3A_376 = tpu.memref_slice %arg2[%dma_start3A_375] : memref<655360xf32, #tpu.memory_space<hbm>> -> memref<10240xf32, #tpu.memory_space<hbm>>
      tpu.enqueue_dma source(%dma_start3A_376 : memref<10240xf32, #tpu.memory_space<hbm>>) target(%dma_start3A_374 : memref<10240xf32, #tpu.memory_space<vmem>>) target_semaphore(%arg7 : memref<!tpu.dma_semaphore, #tpu.memory_space<semaphore_mem>>)
      %dma_start3A_377 = arith.constant 61 : i32
      %dma_start3A_378 = arith.constant 0 : i32
      %dma_start3A_379 = tpu.memref_slice %arg6[%dma_start3A_377, %dma_start3A_378] : memref<64x10240xf32, #tpu.memory_space<vmem>> -> memref<1x10240xf32, #tpu.memory_space<vmem>>
      %dma_start3A_380 = tpu.memref_squeeze %dma_start3A_379 : memref<1x10240xf32, #tpu.memory_space<vmem>> -> memref<10240xf32, #tpu.memory_space<vmem>>
      %dma_start3A_381 = arith.constant 624640 : i32
      %dma_start3A_382 = tpu.memref_slice %arg2[%dma_start3A_381] : memref<655360xf32, #tpu.memory_space<hbm>> -> memref<10240xf32, #tpu.memory_space<hbm>>
      tpu.enqueue_dma source(%dma_start3A_382 : memref<10240xf32, #tpu.memory_space<hbm>>) target(%dma_start3A_380 : memref<10240xf32, #tpu.memory_space<vmem>>) target_semaphore(%arg7 : memref<!tpu.dma_semaphore, #tpu.memory_space<semaphore_mem>>)
      %dma_start3A_383 = arith.constant 62 : i32
      %dma_start3A_384 = arith.constant 0 : i32
      %dma_start3A_385 = tpu.memref_slice %arg6[%dma_start3A_383, %dma_start3A_384] : memref<64x10240xf32, #tpu.memory_space<vmem>> -> memref<1x10240xf32, #tpu.memory_space<vmem>>
      %dma_start3A_386 = tpu.memref_squeeze %dma_start3A_385 : memref<1x10240xf32, #tpu.memory_space<vmem>> -> memref<10240xf32, #tpu.memory_space<vmem>>
      %dma_start3A_387 = arith.constant 634880 : i32
      %dma_start3A_388 = tpu.memref_slice %arg2[%dma_start3A_387] : memref<655360xf32, #tpu.memory_space<hbm>> -> memref<10240xf32, #tpu.memory_space<hbm>>
      tpu.enqueue_dma source(%dma_start3A_388 : memref<10240xf32, #tpu.memory_space<hbm>>) target(%dma_start3A_386 : memref<10240xf32, #tpu.memory_space<vmem>>) target_semaphore(%arg7 : memref<!tpu.dma_semaphore, #tpu.memory_space<semaphore_mem>>)
      %dma_start3A_389 = arith.constant 63 : i32
      %dma_start3A_390 = arith.constant 0 : i32
      %dma_start3A_391 = tpu.memref_slice %arg6[%dma_start3A_389, %dma_start3A_390] : memref<64x10240xf32, #tpu.memory_space<vmem>> -> memref<1x10240xf32, #tpu.memory_space<vmem>>
      %dma_start3A_392 = tpu.memref_squeeze %dma_start3A_391 : memref<1x10240xf32, #tpu.memory_space<vmem>> -> memref<10240xf32, #tpu.memory_space<vmem>>
      %dma_start3A_393 = arith.constant 645120 : i32
      %dma_start3A_394 = tpu.memref_slice %arg2[%dma_start3A_393] : memref<655360xf32, #tpu.memory_space<hbm>> -> memref<10240xf32, #tpu.memory_space<hbm>>
      tpu.enqueue_dma source(%dma_start3A_394 : memref<10240xf32, #tpu.memory_space<hbm>>) target(%dma_start3A_392 : memref<10240xf32, #tpu.memory_space<vmem>>) target_semaphore(%arg7 : memref<!tpu.dma_semaphore, #tpu.memory_space<semaphore_mem>>)
      %dma_wait3A = arith.constant 0 : i32
      %dma_wait3A_395 = arith.constant 0 : i32
      %dma_wait3A_396 = tpu.memref_slice %arg6[%dma_wait3A, %dma_wait3A_395] : memref<64x10240xf32, #tpu.memory_space<vmem>> -> memref<1x10240xf32, #tpu.memory_space<vmem>>
      %dma_wait3A_397 = tpu.memref_squeeze %dma_wait3A_396 : memref<1x10240xf32, #tpu.memory_space<vmem>> -> memref<10240xf32, #tpu.memory_space<vmem>>
      %dma_wait3A_398 = arith.constant 0 : i32
      %dma_wait3A_399 = tpu.memref_slice %arg2[%dma_wait3A_398] : memref<655360xf32, #tpu.memory_space<hbm>> -> memref<10240xf32, #tpu.memory_space<hbm>>
      tpu.wait_dma2 semaphore(%arg7 : memref<!tpu.dma_semaphore, #tpu.memory_space<semaphore_mem>>) src(%dma_wait3A_399 : memref<10240xf32, #tpu.memory_space<hbm>>) dst(%dma_wait3A_397 : memref<10240xf32, #tpu.memory_space<vmem>>)
      %dma_wait3A_400 = arith.constant 1 : i32
      %dma_wait3A_401 = arith.constant 0 : i32
      %dma_wait3A_402 = tpu.memref_slice %arg6[%dma_wait3A_400, %dma_wait3A_401] : memref<64x10240xf32, #tpu.memory_space<vmem>> -> memref<1x10240xf32, #tpu.memory_space<vmem>>
      %dma_wait3A_403 = tpu.memref_squeeze %dma_wait3A_402 : memref<1x10240xf32, #tpu.memory_space<vmem>> -> memref<10240xf32, #tpu.memory_space<vmem>>
      %dma_wait3A_404 = arith.constant 10240 : i32
      %dma_wait3A_405 = tpu.memref_slice %arg2[%dma_wait3A_404] : memref<655360xf32, #tpu.memory_space<hbm>> -> memref<10240xf32, #tpu.memory_space<hbm>>
      tpu.wait_dma2 semaphore(%arg7 : memref<!tpu.dma_semaphore, #tpu.memory_space<semaphore_mem>>) src(%dma_wait3A_405 : memref<10240xf32, #tpu.memory_space<hbm>>) dst(%dma_wait3A_403 : memref<10240xf32, #tpu.memory_space<vmem>>)
      %dma_wait3A_406 = arith.constant 2 : i32
      %dma_wait3A_407 = arith.constant 0 : i32
      %dma_wait3A_408 = tpu.memref_slice %arg6[%dma_wait3A_406, %dma_wait3A_407] : memref<64x10240xf32, #tpu.memory_space<vmem>> -> memref<1x10240xf32, #tpu.memory_space<vmem>>
      %dma_wait3A_409 = tpu.memref_squeeze %dma_wait3A_408 : memref<1x10240xf32, #tpu.memory_space<vmem>> -> memref<10240xf32, #tpu.memory_space<vmem>>
      %dma_wait3A_410 = arith.constant 20480 : i32
      %dma_wait3A_411 = tpu.memref_slice %arg2[%dma_wait3A_410] : memref<655360xf32, #tpu.memory_space<hbm>> -> memref<10240xf32, #tpu.memory_space<hbm>>
      tpu.wait_dma2 semaphore(%arg7 : memref<!tpu.dma_semaphore, #tpu.memory_space<semaphore_mem>>) src(%dma_wait3A_411 : memref<10240xf32, #tpu.memory_space<hbm>>) dst(%dma_wait3A_409 : memref<10240xf32, #tpu.memory_space<vmem>>)
      %dma_wait3A_412 = arith.constant 3 : i32
      %dma_wait3A_413 = arith.constant 0 : i32
      %dma_wait3A_414 = tpu.memref_slice %arg6[%dma_wait3A_412, %dma_wait3A_413] : memref<64x10240xf32, #tpu.memory_space<vmem>> -> memref<1x10240xf32, #tpu.memory_space<vmem>>
      %dma_wait3A_415 = tpu.memref_squeeze %dma_wait3A_414 : memref<1x10240xf32, #tpu.memory_space<vmem>> -> memref<10240xf32, #tpu.memory_space<vmem>>
      %dma_wait3A_416 = arith.constant 30720 : i32
      %dma_wait3A_417 = tpu.memref_slice %arg2[%dma_wait3A_416] : memref<655360xf32, #tpu.memory_space<hbm>> -> memref<10240xf32, #tpu.memory_space<hbm>>
      tpu.wait_dma2 semaphore(%arg7 : memref<!tpu.dma_semaphore, #tpu.memory_space<semaphore_mem>>) src(%dma_wait3A_417 : memref<10240xf32, #tpu.memory_space<hbm>>) dst(%dma_wait3A_415 : memref<10240xf32, #tpu.memory_space<vmem>>)
      %dma_wait3A_418 = arith.constant 4 : i32
      %dma_wait3A_419 = arith.constant 0 : i32
      %dma_wait3A_420 = tpu.memref_slice %arg6[%dma_wait3A_418, %dma_wait3A_419] : memref<64x10240xf32, #tpu.memory_space<vmem>> -> memref<1x10240xf32, #tpu.memory_space<vmem>>
      %dma_wait3A_421 = tpu.memref_squeeze %dma_wait3A_420 : memref<1x10240xf32, #tpu.memory_space<vmem>> -> memref<10240xf32, #tpu.memory_space<vmem>>
      %dma_wait3A_422 = arith.constant 40960 : i32
      %dma_wait3A_423 = tpu.memref_slice %arg2[%dma_wait3A_422] : memref<655360xf32, #tpu.memory_space<hbm>> -> memref<10240xf32, #tpu.memory_space<hbm>>
      tpu.wait_dma2 semaphore(%arg7 : memref<!tpu.dma_semaphore, #tpu.memory_space<semaphore_mem>>) src(%dma_wait3A_423 : memref<10240xf32, #tpu.memory_space<hbm>>) dst(%dma_wait3A_421 : memref<10240xf32, #tpu.memory_space<vmem>>)
      %dma_wait3A_424 = arith.constant 5 : i32
      %dma_wait3A_425 = arith.constant 0 : i32
      %dma_wait3A_426 = tpu.memref_slice %arg6[%dma_wait3A_424, %dma_wait3A_425] : memref<64x10240xf32, #tpu.memory_space<vmem>> -> memref<1x10240xf32, #tpu.memory_space<vmem>>
      %dma_wait3A_427 = tpu.memref_squeeze %dma_wait3A_426 : memref<1x10240xf32, #tpu.memory_space<vmem>> -> memref<10240xf32, #tpu.memory_space<vmem>>
      %dma_wait3A_428 = arith.constant 51200 : i32
      %dma_wait3A_429 = tpu.memref_slice %arg2[%dma_wait3A_428] : memref<655360xf32, #tpu.memory_space<hbm>> -> memref<10240xf32, #tpu.memory_space<hbm>>
      tpu.wait_dma2 semaphore(%arg7 : memref<!tpu.dma_semaphore, #tpu.memory_space<semaphore_mem>>) src(%dma_wait3A_429 : memref<10240xf32, #tpu.memory_space<hbm>>) dst(%dma_wait3A_427 : memref<10240xf32, #tpu.memory_space<vmem>>)
      %dma_wait3A_430 = arith.constant 6 : i32
      %dma_wait3A_431 = arith.constant 0 : i32
      %dma_wait3A_432 = tpu.memref_slice %arg6[%dma_wait3A_430, %dma_wait3A_431] : memref<64x10240xf32, #tpu.memory_space<vmem>> -> memref<1x10240xf32, #tpu.memory_space<vmem>>
      %dma_wait3A_433 = tpu.memref_squeeze %dma_wait3A_432 : memref<1x10240xf32, #tpu.memory_space<vmem>> -> memref<10240xf32, #tpu.memory_space<vmem>>
      %dma_wait3A_434 = arith.constant 61440 : i32
      %dma_wait3A_435 = tpu.memref_slice %arg2[%dma_wait3A_434] : memref<655360xf32, #tpu.memory_space<hbm>> -> memref<10240xf32, #tpu.memory_space<hbm>>
      tpu.wait_dma2 semaphore(%arg7 : memref<!tpu.dma_semaphore, #tpu.memory_space<semaphore_mem>>) src(%dma_wait3A_435 : memref<10240xf32, #tpu.memory_space<hbm>>) dst(%dma_wait3A_433 : memref<10240xf32, #tpu.memory_space<vmem>>)
      %dma_wait3A_436 = arith.constant 7 : i32
      %dma_wait3A_437 = arith.constant 0 : i32
      %dma_wait3A_438 = tpu.memref_slice %arg6[%dma_wait3A_436, %dma_wait3A_437] : memref<64x10240xf32, #tpu.memory_space<vmem>> -> memref<1x10240xf32, #tpu.memory_space<vmem>>
      %dma_wait3A_439 = tpu.memref_squeeze %dma_wait3A_438 : memref<1x10240xf32, #tpu.memory_space<vmem>> -> memref<10240xf32, #tpu.memory_space<vmem>>
      %dma_wait3A_440 = arith.constant 71680 : i32
      %dma_wait3A_441 = tpu.memref_slice %arg2[%dma_wait3A_440] : memref<655360xf32, #tpu.memory_space<hbm>> -> memref<10240xf32, #tpu.memory_space<hbm>>
      tpu.wait_dma2 semaphore(%arg7 : memref<!tpu.dma_semaphore, #tpu.memory_space<semaphore_mem>>) src(%dma_wait3A_441 : memref<10240xf32, #tpu.memory_space<hbm>>) dst(%dma_wait3A_439 : memref<10240xf32, #tpu.memory_space<vmem>>)
      %dma_wait3A_442 = arith.constant 8 : i32
      %dma_wait3A_443 = arith.constant 0 : i32
      %dma_wait3A_444 = tpu.memref_slice %arg6[%dma_wait3A_442, %dma_wait3A_443] : memref<64x10240xf32, #tpu.memory_space<vmem>> -> memref<1x10240xf32, #tpu.memory_space<vmem>>
      %dma_wait3A_445 = tpu.memref_squeeze %dma_wait3A_444 : memref<1x10240xf32, #tpu.memory_space<vmem>> -> memref<10240xf32, #tpu.memory_space<vmem>>
      %dma_wait3A_446 = arith.constant 81920 : i32
      %dma_wait3A_447 = tpu.memref_slice %arg2[%dma_wait3A_446] : memref<655360xf32, #tpu.memory_space<hbm>> -> memref<10240xf32, #tpu.memory_space<hbm>>
      tpu.wait_dma2 semaphore(%arg7 : memref<!tpu.dma_semaphore, #tpu.memory_space<semaphore_mem>>) src(%dma_wait3A_447 : memref<10240xf32, #tpu.memory_space<hbm>>) dst(%dma_wait3A_445 : memref<10240xf32, #tpu.memory_space<vmem>>)
      %dma_wait3A_448 = arith.constant 9 : i32
      %dma_wait3A_449 = arith.constant 0 : i32
      %dma_wait3A_450 = tpu.memref_slice %arg6[%dma_wait3A_448, %dma_wait3A_449] : memref<64x10240xf32, #tpu.memory_space<vmem>> -> memref<1x10240xf32, #tpu.memory_space<vmem>>
      %dma_wait3A_451 = tpu.memref_squeeze %dma_wait3A_450 : memref<1x10240xf32, #tpu.memory_space<vmem>> -> memref<10240xf32, #tpu.memory_space<vmem>>
      %dma_wait3A_452 = arith.constant 92160 : i32
      %dma_wait3A_453 = tpu.memref_slice %arg2[%dma_wait3A_452] : memref<655360xf32, #tpu.memory_space<hbm>> -> memref<10240xf32, #tpu.memory_space<hbm>>
      tpu.wait_dma2 semaphore(%arg7 : memref<!tpu.dma_semaphore, #tpu.memory_space<semaphore_mem>>) src(%dma_wait3A_453 : memref<10240xf32, #tpu.memory_space<hbm>>) dst(%dma_wait3A_451 : memref<10240xf32, #tpu.memory_space<vmem>>)
      %dma_wait3A_454 = arith.constant 10 : i32
      %dma_wait3A_455 = arith.constant 0 : i32
      %dma_wait3A_456 = tpu.memref_slice %arg6[%dma_wait3A_454, %dma_wait3A_455] : memref<64x10240xf32, #tpu.memory_space<vmem>> -> memref<1x10240xf32, #tpu.memory_space<vmem>>
      %dma_wait3A_457 = tpu.memref_squeeze %dma_wait3A_456 : memref<1x10240xf32, #tpu.memory_space<vmem>> -> memref<10240xf32, #tpu.memory_space<vmem>>
      %dma_wait3A_458 = arith.constant 102400 : i32
      %dma_wait3A_459 = tpu.memref_slice %arg2[%dma_wait3A_458] : memref<655360xf32, #tpu.memory_space<hbm>> -> memref<10240xf32, #tpu.memory_space<hbm>>
      tpu.wait_dma2 semaphore(%arg7 : memref<!tpu.dma_semaphore, #tpu.memory_space<semaphore_mem>>) src(%dma_wait3A_459 : memref<10240xf32, #tpu.memory_space<hbm>>) dst(%dma_wait3A_457 : memref<10240xf32, #tpu.memory_space<vmem>>)
      %dma_wait3A_460 = arith.constant 11 : i32
      %dma_wait3A_461 = arith.constant 0 : i32
      %dma_wait3A_462 = tpu.memref_slice %arg6[%dma_wait3A_460, %dma_wait3A_461] : memref<64x10240xf32, #tpu.memory_space<vmem>> -> memref<1x10240xf32, #tpu.memory_space<vmem>>
      %dma_wait3A_463 = tpu.memref_squeeze %dma_wait3A_462 : memref<1x10240xf32, #tpu.memory_space<vmem>> -> memref<10240xf32, #tpu.memory_space<vmem>>
      %dma_wait3A_464 = arith.constant 112640 : i32
      %dma_wait3A_465 = tpu.memref_slice %arg2[%dma_wait3A_464] : memref<655360xf32, #tpu.memory_space<hbm>> -> memref<10240xf32, #tpu.memory_space<hbm>>
      tpu.wait_dma2 semaphore(%arg7 : memref<!tpu.dma_semaphore, #tpu.memory_space<semaphore_mem>>) src(%dma_wait3A_465 : memref<10240xf32, #tpu.memory_space<hbm>>) dst(%dma_wait3A_463 : memref<10240xf32, #tpu.memory_space<vmem>>)
      %dma_wait3A_466 = arith.constant 12 : i32
      %dma_wait3A_467 = arith.constant 0 : i32
      %dma_wait3A_468 = tpu.memref_slice %arg6[%dma_wait3A_466, %dma_wait3A_467] : memref<64x10240xf32, #tpu.memory_space<vmem>> -> memref<1x10240xf32, #tpu.memory_space<vmem>>
      %dma_wait3A_469 = tpu.memref_squeeze %dma_wait3A_468 : memref<1x10240xf32, #tpu.memory_space<vmem>> -> memref<10240xf32, #tpu.memory_space<vmem>>
      %dma_wait3A_470 = arith.constant 122880 : i32
      %dma_wait3A_471 = tpu.memref_slice %arg2[%dma_wait3A_470] : memref<655360xf32, #tpu.memory_space<hbm>> -> memref<10240xf32, #tpu.memory_space<hbm>>
      tpu.wait_dma2 semaphore(%arg7 : memref<!tpu.dma_semaphore, #tpu.memory_space<semaphore_mem>>) src(%dma_wait3A_471 : memref<10240xf32, #tpu.memory_space<hbm>>) dst(%dma_wait3A_469 : memref<10240xf32, #tpu.memory_space<vmem>>)
      %dma_wait3A_472 = arith.constant 13 : i32
      %dma_wait3A_473 = arith.constant 0 : i32
      %dma_wait3A_474 = tpu.memref_slice %arg6[%dma_wait3A_472, %dma_wait3A_473] : memref<64x10240xf32, #tpu.memory_space<vmem>> -> memref<1x10240xf32, #tpu.memory_space<vmem>>
      %dma_wait3A_475 = tpu.memref_squeeze %dma_wait3A_474 : memref<1x10240xf32, #tpu.memory_space<vmem>> -> memref<10240xf32, #tpu.memory_space<vmem>>
      %dma_wait3A_476 = arith.constant 133120 : i32
      %dma_wait3A_477 = tpu.memref_slice %arg2[%dma_wait3A_476] : memref<655360xf32, #tpu.memory_space<hbm>> -> memref<10240xf32, #tpu.memory_space<hbm>>
      tpu.wait_dma2 semaphore(%arg7 : memref<!tpu.dma_semaphore, #tpu.memory_space<semaphore_mem>>) src(%dma_wait3A_477 : memref<10240xf32, #tpu.memory_space<hbm>>) dst(%dma_wait3A_475 : memref<10240xf32, #tpu.memory_space<vmem>>)
      %dma_wait3A_478 = arith.constant 14 : i32
      %dma_wait3A_479 = arith.constant 0 : i32
      %dma_wait3A_480 = tpu.memref_slice %arg6[%dma_wait3A_478, %dma_wait3A_479] : memref<64x10240xf32, #tpu.memory_space<vmem>> -> memref<1x10240xf32, #tpu.memory_space<vmem>>
      %dma_wait3A_481 = tpu.memref_squeeze %dma_wait3A_480 : memref<1x10240xf32, #tpu.memory_space<vmem>> -> memref<10240xf32, #tpu.memory_space<vmem>>
      %dma_wait3A_482 = arith.constant 143360 : i32
      %dma_wait3A_483 = tpu.memref_slice %arg2[%dma_wait3A_482] : memref<655360xf32, #tpu.memory_space<hbm>> -> memref<10240xf32, #tpu.memory_space<hbm>>
      tpu.wait_dma2 semaphore(%arg7 : memref<!tpu.dma_semaphore, #tpu.memory_space<semaphore_mem>>) src(%dma_wait3A_483 : memref<10240xf32, #tpu.memory_space<hbm>>) dst(%dma_wait3A_481 : memref<10240xf32, #tpu.memory_space<vmem>>)
      %dma_wait3A_484 = arith.constant 15 : i32
      %dma_wait3A_485 = arith.constant 0 : i32
      %dma_wait3A_486 = tpu.memref_slice %arg6[%dma_wait3A_484, %dma_wait3A_485] : memref<64x10240xf32, #tpu.memory_space<vmem>> -> memref<1x10240xf32, #tpu.memory_space<vmem>>
      %dma_wait3A_487 = tpu.memref_squeeze %dma_wait3A_486 : memref<1x10240xf32, #tpu.memory_space<vmem>> -> memref<10240xf32, #tpu.memory_space<vmem>>
      %dma_wait3A_488 = arith.constant 153600 : i32
      %dma_wait3A_489 = tpu.memref_slice %arg2[%dma_wait3A_488] : memref<655360xf32, #tpu.memory_space<hbm>> -> memref<10240xf32, #tpu.memory_space<hbm>>
      tpu.wait_dma2 semaphore(%arg7 : memref<!tpu.dma_semaphore, #tpu.memory_space<semaphore_mem>>) src(%dma_wait3A_489 : memref<10240xf32, #tpu.memory_space<hbm>>) dst(%dma_wait3A_487 : memref<10240xf32, #tpu.memory_space<vmem>>)
      %dma_wait3A_490 = arith.constant 16 : i32
      %dma_wait3A_491 = arith.constant 0 : i32
      %dma_wait3A_492 = tpu.memref_slice %arg6[%dma_wait3A_490, %dma_wait3A_491] : memref<64x10240xf32, #tpu.memory_space<vmem>> -> memref<1x10240xf32, #tpu.memory_space<vmem>>
      %dma_wait3A_493 = tpu.memref_squeeze %dma_wait3A_492 : memref<1x10240xf32, #tpu.memory_space<vmem>> -> memref<10240xf32, #tpu.memory_space<vmem>>
      %dma_wait3A_494 = arith.constant 163840 : i32
      %dma_wait3A_495 = tpu.memref_slice %arg2[%dma_wait3A_494] : memref<655360xf32, #tpu.memory_space<hbm>> -> memref<10240xf32, #tpu.memory_space<hbm>>
      tpu.wait_dma2 semaphore(%arg7 : memref<!tpu.dma_semaphore, #tpu.memory_space<semaphore_mem>>) src(%dma_wait3A_495 : memref<10240xf32, #tpu.memory_space<hbm>>) dst(%dma_wait3A_493 : memref<10240xf32, #tpu.memory_space<vmem>>)
      %dma_wait3A_496 = arith.constant 17 : i32
      %dma_wait3A_497 = arith.constant 0 : i32
      %dma_wait3A_498 = tpu.memref_slice %arg6[%dma_wait3A_496, %dma_wait3A_497] : memref<64x10240xf32, #tpu.memory_space<vmem>> -> memref<1x10240xf32, #tpu.memory_space<vmem>>
      %dma_wait3A_499 = tpu.memref_squeeze %dma_wait3A_498 : memref<1x10240xf32, #tpu.memory_space<vmem>> -> memref<10240xf32, #tpu.memory_space<vmem>>
      %dma_wait3A_500 = arith.constant 174080 : i32
      %dma_wait3A_501 = tpu.memref_slice %arg2[%dma_wait3A_500] : memref<655360xf32, #tpu.memory_space<hbm>> -> memref<10240xf32, #tpu.memory_space<hbm>>
      tpu.wait_dma2 semaphore(%arg7 : memref<!tpu.dma_semaphore, #tpu.memory_space<semaphore_mem>>) src(%dma_wait3A_501 : memref<10240xf32, #tpu.memory_space<hbm>>) dst(%dma_wait3A_499 : memref<10240xf32, #tpu.memory_space<vmem>>)
      %dma_wait3A_502 = arith.constant 18 : i32
      %dma_wait3A_503 = arith.constant 0 : i32
      %dma_wait3A_504 = tpu.memref_slice %arg6[%dma_wait3A_502, %dma_wait3A_503] : memref<64x10240xf32, #tpu.memory_space<vmem>> -> memref<1x10240xf32, #tpu.memory_space<vmem>>
      %dma_wait3A_505 = tpu.memref_squeeze %dma_wait3A_504 : memref<1x10240xf32, #tpu.memory_space<vmem>> -> memref<10240xf32, #tpu.memory_space<vmem>>
      %dma_wait3A_506 = arith.constant 184320 : i32
      %dma_wait3A_507 = tpu.memref_slice %arg2[%dma_wait3A_506] : memref<655360xf32, #tpu.memory_space<hbm>> -> memref<10240xf32, #tpu.memory_space<hbm>>
      tpu.wait_dma2 semaphore(%arg7 : memref<!tpu.dma_semaphore, #tpu.memory_space<semaphore_mem>>) src(%dma_wait3A_507 : memref<10240xf32, #tpu.memory_space<hbm>>) dst(%dma_wait3A_505 : memref<10240xf32, #tpu.memory_space<vmem>>)
      %dma_wait3A_508 = arith.constant 19 : i32
      %dma_wait3A_509 = arith.constant 0 : i32
      %dma_wait3A_510 = tpu.memref_slice %arg6[%dma_wait3A_508, %dma_wait3A_509] : memref<64x10240xf32, #tpu.memory_space<vmem>> -> memref<1x10240xf32, #tpu.memory_space<vmem>>
      %dma_wait3A_511 = tpu.memref_squeeze %dma_wait3A_510 : memref<1x10240xf32, #tpu.memory_space<vmem>> -> memref<10240xf32, #tpu.memory_space<vmem>>
      %dma_wait3A_512 = arith.constant 194560 : i32
      %dma_wait3A_513 = tpu.memref_slice %arg2[%dma_wait3A_512] : memref<655360xf32, #tpu.memory_space<hbm>> -> memref<10240xf32, #tpu.memory_space<hbm>>
      tpu.wait_dma2 semaphore(%arg7 : memref<!tpu.dma_semaphore, #tpu.memory_space<semaphore_mem>>) src(%dma_wait3A_513 : memref<10240xf32, #tpu.memory_space<hbm>>) dst(%dma_wait3A_511 : memref<10240xf32, #tpu.memory_space<vmem>>)
      %dma_wait3A_514 = arith.constant 20 : i32
      %dma_wait3A_515 = arith.constant 0 : i32
      %dma_wait3A_516 = tpu.memref_slice %arg6[%dma_wait3A_514, %dma_wait3A_515] : memref<64x10240xf32, #tpu.memory_space<vmem>> -> memref<1x10240xf32, #tpu.memory_space<vmem>>
      %dma_wait3A_517 = tpu.memref_squeeze %dma_wait3A_516 : memref<1x10240xf32, #tpu.memory_space<vmem>> -> memref<10240xf32, #tpu.memory_space<vmem>>
      %dma_wait3A_518 = arith.constant 204800 : i32
      %dma_wait3A_519 = tpu.memref_slice %arg2[%dma_wait3A_518] : memref<655360xf32, #tpu.memory_space<hbm>> -> memref<10240xf32, #tpu.memory_space<hbm>>
      tpu.wait_dma2 semaphore(%arg7 : memref<!tpu.dma_semaphore, #tpu.memory_space<semaphore_mem>>) src(%dma_wait3A_519 : memref<10240xf32, #tpu.memory_space<hbm>>) dst(%dma_wait3A_517 : memref<10240xf32, #tpu.memory_space<vmem>>)
      %dma_wait3A_520 = arith.constant 21 : i32
      %dma_wait3A_521 = arith.constant 0 : i32
      %dma_wait3A_522 = tpu.memref_slice %arg6[%dma_wait3A_520, %dma_wait3A_521] : memref<64x10240xf32, #tpu.memory_space<vmem>> -> memref<1x10240xf32, #tpu.memory_space<vmem>>
      %dma_wait3A_523 = tpu.memref_squeeze %dma_wait3A_522 : memref<1x10240xf32, #tpu.memory_space<vmem>> -> memref<10240xf32, #tpu.memory_space<vmem>>
      %dma_wait3A_524 = arith.constant 215040 : i32
      %dma_wait3A_525 = tpu.memref_slice %arg2[%dma_wait3A_524] : memref<655360xf32, #tpu.memory_space<hbm>> -> memref<10240xf32, #tpu.memory_space<hbm>>
      tpu.wait_dma2 semaphore(%arg7 : memref<!tpu.dma_semaphore, #tpu.memory_space<semaphore_mem>>) src(%dma_wait3A_525 : memref<10240xf32, #tpu.memory_space<hbm>>) dst(%dma_wait3A_523 : memref<10240xf32, #tpu.memory_space<vmem>>)
      %dma_wait3A_526 = arith.constant 22 : i32
      %dma_wait3A_527 = arith.constant 0 : i32
      %dma_wait3A_528 = tpu.memref_slice %arg6[%dma_wait3A_526, %dma_wait3A_527] : memref<64x10240xf32, #tpu.memory_space<vmem>> -> memref<1x10240xf32, #tpu.memory_space<vmem>>
      %dma_wait3A_529 = tpu.memref_squeeze %dma_wait3A_528 : memref<1x10240xf32, #tpu.memory_space<vmem>> -> memref<10240xf32, #tpu.memory_space<vmem>>
      %dma_wait3A_530 = arith.constant 225280 : i32
      %dma_wait3A_531 = tpu.memref_slice %arg2[%dma_wait3A_530] : memref<655360xf32, #tpu.memory_space<hbm>> -> memref<10240xf32, #tpu.memory_space<hbm>>
      tpu.wait_dma2 semaphore(%arg7 : memref<!tpu.dma_semaphore, #tpu.memory_space<semaphore_mem>>) src(%dma_wait3A_531 : memref<10240xf32, #tpu.memory_space<hbm>>) dst(%dma_wait3A_529 : memref<10240xf32, #tpu.memory_space<vmem>>)
      %dma_wait3A_532 = arith.constant 23 : i32
      %dma_wait3A_533 = arith.constant 0 : i32
      %dma_wait3A_534 = tpu.memref_slice %arg6[%dma_wait3A_532, %dma_wait3A_533] : memref<64x10240xf32, #tpu.memory_space<vmem>> -> memref<1x10240xf32, #tpu.memory_space<vmem>>
      %dma_wait3A_535 = tpu.memref_squeeze %dma_wait3A_534 : memref<1x10240xf32, #tpu.memory_space<vmem>> -> memref<10240xf32, #tpu.memory_space<vmem>>
      %dma_wait3A_536 = arith.constant 235520 : i32
      %dma_wait3A_537 = tpu.memref_slice %arg2[%dma_wait3A_536] : memref<655360xf32, #tpu.memory_space<hbm>> -> memref<10240xf32, #tpu.memory_space<hbm>>
      tpu.wait_dma2 semaphore(%arg7 : memref<!tpu.dma_semaphore, #tpu.memory_space<semaphore_mem>>) src(%dma_wait3A_537 : memref<10240xf32, #tpu.memory_space<hbm>>) dst(%dma_wait3A_535 : memref<10240xf32, #tpu.memory_space<vmem>>)
      %dma_wait3A_538 = arith.constant 24 : i32
      %dma_wait3A_539 = arith.constant 0 : i32
      %dma_wait3A_540 = tpu.memref_slice %arg6[%dma_wait3A_538, %dma_wait3A_539] : memref<64x10240xf32, #tpu.memory_space<vmem>> -> memref<1x10240xf32, #tpu.memory_space<vmem>>
      %dma_wait3A_541 = tpu.memref_squeeze %dma_wait3A_540 : memref<1x10240xf32, #tpu.memory_space<vmem>> -> memref<10240xf32, #tpu.memory_space<vmem>>
      %dma_wait3A_542 = arith.constant 245760 : i32
      %dma_wait3A_543 = tpu.memref_slice %arg2[%dma_wait3A_542] : memref<655360xf32, #tpu.memory_space<hbm>> -> memref<10240xf32, #tpu.memory_space<hbm>>
      tpu.wait_dma2 semaphore(%arg7 : memref<!tpu.dma_semaphore, #tpu.memory_space<semaphore_mem>>) src(%dma_wait3A_543 : memref<10240xf32, #tpu.memory_space<hbm>>) dst(%dma_wait3A_541 : memref<10240xf32, #tpu.memory_space<vmem>>)
      %dma_wait3A_544 = arith.constant 25 : i32
      %dma_wait3A_545 = arith.constant 0 : i32
      %dma_wait3A_546 = tpu.memref_slice %arg6[%dma_wait3A_544, %dma_wait3A_545] : memref<64x10240xf32, #tpu.memory_space<vmem>> -> memref<1x10240xf32, #tpu.memory_space<vmem>>
      %dma_wait3A_547 = tpu.memref_squeeze %dma_wait3A_546 : memref<1x10240xf32, #tpu.memory_space<vmem>> -> memref<10240xf32, #tpu.memory_space<vmem>>
      %dma_wait3A_548 = arith.constant 256000 : i32
      %dma_wait3A_549 = tpu.memref_slice %arg2[%dma_wait3A_548] : memref<655360xf32, #tpu.memory_space<hbm>> -> memref<10240xf32, #tpu.memory_space<hbm>>
      tpu.wait_dma2 semaphore(%arg7 : memref<!tpu.dma_semaphore, #tpu.memory_space<semaphore_mem>>) src(%dma_wait3A_549 : memref<10240xf32, #tpu.memory_space<hbm>>) dst(%dma_wait3A_547 : memref<10240xf32, #tpu.memory_space<vmem>>)
      %dma_wait3A_550 = arith.constant 26 : i32
      %dma_wait3A_551 = arith.constant 0 : i32
      %dma_wait3A_552 = tpu.memref_slice %arg6[%dma_wait3A_550, %dma_wait3A_551] : memref<64x10240xf32, #tpu.memory_space<vmem>> -> memref<1x10240xf32, #tpu.memory_space<vmem>>
      %dma_wait3A_553 = tpu.memref_squeeze %dma_wait3A_552 : memref<1x10240xf32, #tpu.memory_space<vmem>> -> memref<10240xf32, #tpu.memory_space<vmem>>
      %dma_wait3A_554 = arith.constant 266240 : i32
      %dma_wait3A_555 = tpu.memref_slice %arg2[%dma_wait3A_554] : memref<655360xf32, #tpu.memory_space<hbm>> -> memref<10240xf32, #tpu.memory_space<hbm>>
      tpu.wait_dma2 semaphore(%arg7 : memref<!tpu.dma_semaphore, #tpu.memory_space<semaphore_mem>>) src(%dma_wait3A_555 : memref<10240xf32, #tpu.memory_space<hbm>>) dst(%dma_wait3A_553 : memref<10240xf32, #tpu.memory_space<vmem>>)
      %dma_wait3A_556 = arith.constant 27 : i32
      %dma_wait3A_557 = arith.constant 0 : i32
      %dma_wait3A_558 = tpu.memref_slice %arg6[%dma_wait3A_556, %dma_wait3A_557] : memref<64x10240xf32, #tpu.memory_space<vmem>> -> memref<1x10240xf32, #tpu.memory_space<vmem>>
      %dma_wait3A_559 = tpu.memref_squeeze %dma_wait3A_558 : memref<1x10240xf32, #tpu.memory_space<vmem>> -> memref<10240xf32, #tpu.memory_space<vmem>>
      %dma_wait3A_560 = arith.constant 276480 : i32
      %dma_wait3A_561 = tpu.memref_slice %arg2[%dma_wait3A_560] : memref<655360xf32, #tpu.memory_space<hbm>> -> memref<10240xf32, #tpu.memory_space<hbm>>
      tpu.wait_dma2 semaphore(%arg7 : memref<!tpu.dma_semaphore, #tpu.memory_space<semaphore_mem>>) src(%dma_wait3A_561 : memref<10240xf32, #tpu.memory_space<hbm>>) dst(%dma_wait3A_559 : memref<10240xf32, #tpu.memory_space<vmem>>)
      %dma_wait3A_562 = arith.constant 28 : i32
      %dma_wait3A_563 = arith.constant 0 : i32
      %dma_wait3A_564 = tpu.memref_slice %arg6[%dma_wait3A_562, %dma_wait3A_563] : memref<64x10240xf32, #tpu.memory_space<vmem>> -> memref<1x10240xf32, #tpu.memory_space<vmem>>
      %dma_wait3A_565 = tpu.memref_squeeze %dma_wait3A_564 : memref<1x10240xf32, #tpu.memory_space<vmem>> -> memref<10240xf32, #tpu.memory_space<vmem>>
      %dma_wait3A_566 = arith.constant 286720 : i32
      %dma_wait3A_567 = tpu.memref_slice %arg2[%dma_wait3A_566] : memref<655360xf32, #tpu.memory_space<hbm>> -> memref<10240xf32, #tpu.memory_space<hbm>>
      tpu.wait_dma2 semaphore(%arg7 : memref<!tpu.dma_semaphore, #tpu.memory_space<semaphore_mem>>) src(%dma_wait3A_567 : memref<10240xf32, #tpu.memory_space<hbm>>) dst(%dma_wait3A_565 : memref<10240xf32, #tpu.memory_space<vmem>>)
      %dma_wait3A_568 = arith.constant 29 : i32
      %dma_wait3A_569 = arith.constant 0 : i32
      %dma_wait3A_570 = tpu.memref_slice %arg6[%dma_wait3A_568, %dma_wait3A_569] : memref<64x10240xf32, #tpu.memory_space<vmem>> -> memref<1x10240xf32, #tpu.memory_space<vmem>>
      %dma_wait3A_571 = tpu.memref_squeeze %dma_wait3A_570 : memref<1x10240xf32, #tpu.memory_space<vmem>> -> memref<10240xf32, #tpu.memory_space<vmem>>
      %dma_wait3A_572 = arith.constant 296960 : i32
      %dma_wait3A_573 = tpu.memref_slice %arg2[%dma_wait3A_572] : memref<655360xf32, #tpu.memory_space<hbm>> -> memref<10240xf32, #tpu.memory_space<hbm>>
      tpu.wait_dma2 semaphore(%arg7 : memref<!tpu.dma_semaphore, #tpu.memory_space<semaphore_mem>>) src(%dma_wait3A_573 : memref<10240xf32, #tpu.memory_space<hbm>>) dst(%dma_wait3A_571 : memref<10240xf32, #tpu.memory_space<vmem>>)
      %dma_wait3A_574 = arith.constant 30 : i32
      %dma_wait3A_575 = arith.constant 0 : i32
      %dma_wait3A_576 = tpu.memref_slice %arg6[%dma_wait3A_574, %dma_wait3A_575] : memref<64x10240xf32, #tpu.memory_space<vmem>> -> memref<1x10240xf32, #tpu.memory_space<vmem>>
      %dma_wait3A_577 = tpu.memref_squeeze %dma_wait3A_576 : memref<1x10240xf32, #tpu.memory_space<vmem>> -> memref<10240xf32, #tpu.memory_space<vmem>>
      %dma_wait3A_578 = arith.constant 307200 : i32
      %dma_wait3A_579 = tpu.memref_slice %arg2[%dma_wait3A_578] : memref<655360xf32, #tpu.memory_space<hbm>> -> memref<10240xf32, #tpu.memory_space<hbm>>
      tpu.wait_dma2 semaphore(%arg7 : memref<!tpu.dma_semaphore, #tpu.memory_space<semaphore_mem>>) src(%dma_wait3A_579 : memref<10240xf32, #tpu.memory_space<hbm>>) dst(%dma_wait3A_577 : memref<10240xf32, #tpu.memory_space<vmem>>)
      %dma_wait3A_580 = arith.constant 31 : i32
      %dma_wait3A_581 = arith.constant 0 : i32
      %dma_wait3A_582 = tpu.memref_slice %arg6[%dma_wait3A_580, %dma_wait3A_581] : memref<64x10240xf32, #tpu.memory_space<vmem>> -> memref<1x10240xf32, #tpu.memory_space<vmem>>
      %dma_wait3A_583 = tpu.memref_squeeze %dma_wait3A_582 : memref<1x10240xf32, #tpu.memory_space<vmem>> -> memref<10240xf32, #tpu.memory_space<vmem>>
      %dma_wait3A_584 = arith.constant 317440 : i32
      %dma_wait3A_585 = tpu.memref_slice %arg2[%dma_wait3A_584] : memref<655360xf32, #tpu.memory_space<hbm>> -> memref<10240xf32, #tpu.memory_space<hbm>>
      tpu.wait_dma2 semaphore(%arg7 : memref<!tpu.dma_semaphore, #tpu.memory_space<semaphore_mem>>) src(%dma_wait3A_585 : memref<10240xf32, #tpu.memory_space<hbm>>) dst(%dma_wait3A_583 : memref<10240xf32, #tpu.memory_space<vmem>>)
      %dma_wait3A_586 = arith.constant 32 : i32
      %dma_wait3A_587 = arith.constant 0 : i32
      %dma_wait3A_588 = tpu.memref_slice %arg6[%dma_wait3A_586, %dma_wait3A_587] : memref<64x10240xf32, #tpu.memory_space<vmem>> -> memref<1x10240xf32, #tpu.memory_space<vmem>>
      %dma_wait3A_589 = tpu.memref_squeeze %dma_wait3A_588 : memref<1x10240xf32, #tpu.memory_space<vmem>> -> memref<10240xf32, #tpu.memory_space<vmem>>
      %dma_wait3A_590 = arith.constant 327680 : i32
      %dma_wait3A_591 = tpu.memref_slice %arg2[%dma_wait3A_590] : memref<655360xf32, #tpu.memory_space<hbm>> -> memref<10240xf32, #tpu.memory_space<hbm>>
      tpu.wait_dma2 semaphore(%arg7 : memref<!tpu.dma_semaphore, #tpu.memory_space<semaphore_mem>>) src(%dma_wait3A_591 : memref<10240xf32, #tpu.memory_space<hbm>>) dst(%dma_wait3A_589 : memref<10240xf32, #tpu.memory_space<vmem>>)
      %dma_wait3A_592 = arith.constant 33 : i32
      %dma_wait3A_593 = arith.constant 0 : i32
      %dma_wait3A_594 = tpu.memref_slice %arg6[%dma_wait3A_592, %dma_wait3A_593] : memref<64x10240xf32, #tpu.memory_space<vmem>> -> memref<1x10240xf32, #tpu.memory_space<vmem>>
      %dma_wait3A_595 = tpu.memref_squeeze %dma_wait3A_594 : memref<1x10240xf32, #tpu.memory_space<vmem>> -> memref<10240xf32, #tpu.memory_space<vmem>>
      %dma_wait3A_596 = arith.constant 337920 : i32
      %dma_wait3A_597 = tpu.memref_slice %arg2[%dma_wait3A_596] : memref<655360xf32, #tpu.memory_space<hbm>> -> memref<10240xf32, #tpu.memory_space<hbm>>
      tpu.wait_dma2 semaphore(%arg7 : memref<!tpu.dma_semaphore, #tpu.memory_space<semaphore_mem>>) src(%dma_wait3A_597 : memref<10240xf32, #tpu.memory_space<hbm>>) dst(%dma_wait3A_595 : memref<10240xf32, #tpu.memory_space<vmem>>)
      %dma_wait3A_598 = arith.constant 34 : i32
      %dma_wait3A_599 = arith.constant 0 : i32
      %dma_wait3A_600 = tpu.memref_slice %arg6[%dma_wait3A_598, %dma_wait3A_599] : memref<64x10240xf32, #tpu.memory_space<vmem>> -> memref<1x10240xf32, #tpu.memory_space<vmem>>
      %dma_wait3A_601 = tpu.memref_squeeze %dma_wait3A_600 : memref<1x10240xf32, #tpu.memory_space<vmem>> -> memref<10240xf32, #tpu.memory_space<vmem>>
      %dma_wait3A_602 = arith.constant 348160 : i32
      %dma_wait3A_603 = tpu.memref_slice %arg2[%dma_wait3A_602] : memref<655360xf32, #tpu.memory_space<hbm>> -> memref<10240xf32, #tpu.memory_space<hbm>>
      tpu.wait_dma2 semaphore(%arg7 : memref<!tpu.dma_semaphore, #tpu.memory_space<semaphore_mem>>) src(%dma_wait3A_603 : memref<10240xf32, #tpu.memory_space<hbm>>) dst(%dma_wait3A_601 : memref<10240xf32, #tpu.memory_space<vmem>>)
      %dma_wait3A_604 = arith.constant 35 : i32
      %dma_wait3A_605 = arith.constant 0 : i32
      %dma_wait3A_606 = tpu.memref_slice %arg6[%dma_wait3A_604, %dma_wait3A_605] : memref<64x10240xf32, #tpu.memory_space<vmem>> -> memref<1x10240xf32, #tpu.memory_space<vmem>>
      %dma_wait3A_607 = tpu.memref_squeeze %dma_wait3A_606 : memref<1x10240xf32, #tpu.memory_space<vmem>> -> memref<10240xf32, #tpu.memory_space<vmem>>
      %dma_wait3A_608 = arith.constant 358400 : i32
      %dma_wait3A_609 = tpu.memref_slice %arg2[%dma_wait3A_608] : memref<655360xf32, #tpu.memory_space<hbm>> -> memref<10240xf32, #tpu.memory_space<hbm>>
      tpu.wait_dma2 semaphore(%arg7 : memref<!tpu.dma_semaphore, #tpu.memory_space<semaphore_mem>>) src(%dma_wait3A_609 : memref<10240xf32, #tpu.memory_space<hbm>>) dst(%dma_wait3A_607 : memref<10240xf32, #tpu.memory_space<vmem>>)
      %dma_wait3A_610 = arith.constant 36 : i32
      %dma_wait3A_611 = arith.constant 0 : i32
      %dma_wait3A_612 = tpu.memref_slice %arg6[%dma_wait3A_610, %dma_wait3A_611] : memref<64x10240xf32, #tpu.memory_space<vmem>> -> memref<1x10240xf32, #tpu.memory_space<vmem>>
      %dma_wait3A_613 = tpu.memref_squeeze %dma_wait3A_612 : memref<1x10240xf32, #tpu.memory_space<vmem>> -> memref<10240xf32, #tpu.memory_space<vmem>>
      %dma_wait3A_614 = arith.constant 368640 : i32
      %dma_wait3A_615 = tpu.memref_slice %arg2[%dma_wait3A_614] : memref<655360xf32, #tpu.memory_space<hbm>> -> memref<10240xf32, #tpu.memory_space<hbm>>
      tpu.wait_dma2 semaphore(%arg7 : memref<!tpu.dma_semaphore, #tpu.memory_space<semaphore_mem>>) src(%dma_wait3A_615 : memref<10240xf32, #tpu.memory_space<hbm>>) dst(%dma_wait3A_613 : memref<10240xf32, #tpu.memory_space<vmem>>)
      %dma_wait3A_616 = arith.constant 37 : i32
      %dma_wait3A_617 = arith.constant 0 : i32
      %dma_wait3A_618 = tpu.memref_slice %arg6[%dma_wait3A_616, %dma_wait3A_617] : memref<64x10240xf32, #tpu.memory_space<vmem>> -> memref<1x10240xf32, #tpu.memory_space<vmem>>
      %dma_wait3A_619 = tpu.memref_squeeze %dma_wait3A_618 : memref<1x10240xf32, #tpu.memory_space<vmem>> -> memref<10240xf32, #tpu.memory_space<vmem>>
      %dma_wait3A_620 = arith.constant 378880 : i32
      %dma_wait3A_621 = tpu.memref_slice %arg2[%dma_wait3A_620] : memref<655360xf32, #tpu.memory_space<hbm>> -> memref<10240xf32, #tpu.memory_space<hbm>>
      tpu.wait_dma2 semaphore(%arg7 : memref<!tpu.dma_semaphore, #tpu.memory_space<semaphore_mem>>) src(%dma_wait3A_621 : memref<10240xf32, #tpu.memory_space<hbm>>) dst(%dma_wait3A_619 : memref<10240xf32, #tpu.memory_space<vmem>>)
      %dma_wait3A_622 = arith.constant 38 : i32
      %dma_wait3A_623 = arith.constant 0 : i32
      %dma_wait3A_624 = tpu.memref_slice %arg6[%dma_wait3A_622, %dma_wait3A_623] : memref<64x10240xf32, #tpu.memory_space<vmem>> -> memref<1x10240xf32, #tpu.memory_space<vmem>>
      %dma_wait3A_625 = tpu.memref_squeeze %dma_wait3A_624 : memref<1x10240xf32, #tpu.memory_space<vmem>> -> memref<10240xf32, #tpu.memory_space<vmem>>
      %dma_wait3A_626 = arith.constant 389120 : i32
      %dma_wait3A_627 = tpu.memref_slice %arg2[%dma_wait3A_626] : memref<655360xf32, #tpu.memory_space<hbm>> -> memref<10240xf32, #tpu.memory_space<hbm>>
      tpu.wait_dma2 semaphore(%arg7 : memref<!tpu.dma_semaphore, #tpu.memory_space<semaphore_mem>>) src(%dma_wait3A_627 : memref<10240xf32, #tpu.memory_space<hbm>>) dst(%dma_wait3A_625 : memref<10240xf32, #tpu.memory_space<vmem>>)
      %dma_wait3A_628 = arith.constant 39 : i32
      %dma_wait3A_629 = arith.constant 0 : i32
      %dma_wait3A_630 = tpu.memref_slice %arg6[%dma_wait3A_628, %dma_wait3A_629] : memref<64x10240xf32, #tpu.memory_space<vmem>> -> memref<1x10240xf32, #tpu.memory_space<vmem>>
      %dma_wait3A_631 = tpu.memref_squeeze %dma_wait3A_630 : memref<1x10240xf32, #tpu.memory_space<vmem>> -> memref<10240xf32, #tpu.memory_space<vmem>>
      %dma_wait3A_632 = arith.constant 399360 : i32
      %dma_wait3A_633 = tpu.memref_slice %arg2[%dma_wait3A_632] : memref<655360xf32, #tpu.memory_space<hbm>> -> memref<10240xf32, #tpu.memory_space<hbm>>
      tpu.wait_dma2 semaphore(%arg7 : memref<!tpu.dma_semaphore, #tpu.memory_space<semaphore_mem>>) src(%dma_wait3A_633 : memref<10240xf32, #tpu.memory_space<hbm>>) dst(%dma_wait3A_631 : memref<10240xf32, #tpu.memory_space<vmem>>)
      %dma_wait3A_634 = arith.constant 40 : i32
      %dma_wait3A_635 = arith.constant 0 : i32
      %dma_wait3A_636 = tpu.memref_slice %arg6[%dma_wait3A_634, %dma_wait3A_635] : memref<64x10240xf32, #tpu.memory_space<vmem>> -> memref<1x10240xf32, #tpu.memory_space<vmem>>
      %dma_wait3A_637 = tpu.memref_squeeze %dma_wait3A_636 : memref<1x10240xf32, #tpu.memory_space<vmem>> -> memref<10240xf32, #tpu.memory_space<vmem>>
      %dma_wait3A_638 = arith.constant 409600 : i32
      %dma_wait3A_639 = tpu.memref_slice %arg2[%dma_wait3A_638] : memref<655360xf32, #tpu.memory_space<hbm>> -> memref<10240xf32, #tpu.memory_space<hbm>>
      tpu.wait_dma2 semaphore(%arg7 : memref<!tpu.dma_semaphore, #tpu.memory_space<semaphore_mem>>) src(%dma_wait3A_639 : memref<10240xf32, #tpu.memory_space<hbm>>) dst(%dma_wait3A_637 : memref<10240xf32, #tpu.memory_space<vmem>>)
      %dma_wait3A_640 = arith.constant 41 : i32
      %dma_wait3A_641 = arith.constant 0 : i32
      %dma_wait3A_642 = tpu.memref_slice %arg6[%dma_wait3A_640, %dma_wait3A_641] : memref<64x10240xf32, #tpu.memory_space<vmem>> -> memref<1x10240xf32, #tpu.memory_space<vmem>>
      %dma_wait3A_643 = tpu.memref_squeeze %dma_wait3A_642 : memref<1x10240xf32, #tpu.memory_space<vmem>> -> memref<10240xf32, #tpu.memory_space<vmem>>
      %dma_wait3A_644 = arith.constant 419840 : i32
      %dma_wait3A_645 = tpu.memref_slice %arg2[%dma_wait3A_644] : memref<655360xf32, #tpu.memory_space<hbm>> -> memref<10240xf32, #tpu.memory_space<hbm>>
      tpu.wait_dma2 semaphore(%arg7 : memref<!tpu.dma_semaphore, #tpu.memory_space<semaphore_mem>>) src(%dma_wait3A_645 : memref<10240xf32, #tpu.memory_space<hbm>>) dst(%dma_wait3A_643 : memref<10240xf32, #tpu.memory_space<vmem>>)
      %dma_wait3A_646 = arith.constant 42 : i32
      %dma_wait3A_647 = arith.constant 0 : i32
      %dma_wait3A_648 = tpu.memref_slice %arg6[%dma_wait3A_646, %dma_wait3A_647] : memref<64x10240xf32, #tpu.memory_space<vmem>> -> memref<1x10240xf32, #tpu.memory_space<vmem>>
      %dma_wait3A_649 = tpu.memref_squeeze %dma_wait3A_648 : memref<1x10240xf32, #tpu.memory_space<vmem>> -> memref<10240xf32, #tpu.memory_space<vmem>>
      %dma_wait3A_650 = arith.constant 430080 : i32
      %dma_wait3A_651 = tpu.memref_slice %arg2[%dma_wait3A_650] : memref<655360xf32, #tpu.memory_space<hbm>> -> memref<10240xf32, #tpu.memory_space<hbm>>
      tpu.wait_dma2 semaphore(%arg7 : memref<!tpu.dma_semaphore, #tpu.memory_space<semaphore_mem>>) src(%dma_wait3A_651 : memref<10240xf32, #tpu.memory_space<hbm>>) dst(%dma_wait3A_649 : memref<10240xf32, #tpu.memory_space<vmem>>)
      %dma_wait3A_652 = arith.constant 43 : i32
      %dma_wait3A_653 = arith.constant 0 : i32
      %dma_wait3A_654 = tpu.memref_slice %arg6[%dma_wait3A_652, %dma_wait3A_653] : memref<64x10240xf32, #tpu.memory_space<vmem>> -> memref<1x10240xf32, #tpu.memory_space<vmem>>
      %dma_wait3A_655 = tpu.memref_squeeze %dma_wait3A_654 : memref<1x10240xf32, #tpu.memory_space<vmem>> -> memref<10240xf32, #tpu.memory_space<vmem>>
      %dma_wait3A_656 = arith.constant 440320 : i32
      %dma_wait3A_657 = tpu.memref_slice %arg2[%dma_wait3A_656] : memref<655360xf32, #tpu.memory_space<hbm>> -> memref<10240xf32, #tpu.memory_space<hbm>>
      tpu.wait_dma2 semaphore(%arg7 : memref<!tpu.dma_semaphore, #tpu.memory_space<semaphore_mem>>) src(%dma_wait3A_657 : memref<10240xf32, #tpu.memory_space<hbm>>) dst(%dma_wait3A_655 : memref<10240xf32, #tpu.memory_space<vmem>>)
      %dma_wait3A_658 = arith.constant 44 : i32
      %dma_wait3A_659 = arith.constant 0 : i32
      %dma_wait3A_660 = tpu.memref_slice %arg6[%dma_wait3A_658, %dma_wait3A_659] : memref<64x10240xf32, #tpu.memory_space<vmem>> -> memref<1x10240xf32, #tpu.memory_space<vmem>>
      %dma_wait3A_661 = tpu.memref_squeeze %dma_wait3A_660 : memref<1x10240xf32, #tpu.memory_space<vmem>> -> memref<10240xf32, #tpu.memory_space<vmem>>
      %dma_wait3A_662 = arith.constant 450560 : i32
      %dma_wait3A_663 = tpu.memref_slice %arg2[%dma_wait3A_662] : memref<655360xf32, #tpu.memory_space<hbm>> -> memref<10240xf32, #tpu.memory_space<hbm>>
      tpu.wait_dma2 semaphore(%arg7 : memref<!tpu.dma_semaphore, #tpu.memory_space<semaphore_mem>>) src(%dma_wait3A_663 : memref<10240xf32, #tpu.memory_space<hbm>>) dst(%dma_wait3A_661 : memref<10240xf32, #tpu.memory_space<vmem>>)
      %dma_wait3A_664 = arith.constant 45 : i32
      %dma_wait3A_665 = arith.constant 0 : i32
      %dma_wait3A_666 = tpu.memref_slice %arg6[%dma_wait3A_664, %dma_wait3A_665] : memref<64x10240xf32, #tpu.memory_space<vmem>> -> memref<1x10240xf32, #tpu.memory_space<vmem>>
      %dma_wait3A_667 = tpu.memref_squeeze %dma_wait3A_666 : memref<1x10240xf32, #tpu.memory_space<vmem>> -> memref<10240xf32, #tpu.memory_space<vmem>>
      %dma_wait3A_668 = arith.constant 460800 : i32
      %dma_wait3A_669 = tpu.memref_slice %arg2[%dma_wait3A_668] : memref<655360xf32, #tpu.memory_space<hbm>> -> memref<10240xf32, #tpu.memory_space<hbm>>
      tpu.wait_dma2 semaphore(%arg7 : memref<!tpu.dma_semaphore, #tpu.memory_space<semaphore_mem>>) src(%dma_wait3A_669 : memref<10240xf32, #tpu.memory_space<hbm>>) dst(%dma_wait3A_667 : memref<10240xf32, #tpu.memory_space<vmem>>)
      %dma_wait3A_670 = arith.constant 46 : i32
      %dma_wait3A_671 = arith.constant 0 : i32
      %dma_wait3A_672 = tpu.memref_slice %arg6[%dma_wait3A_670, %dma_wait3A_671] : memref<64x10240xf32, #tpu.memory_space<vmem>> -> memref<1x10240xf32, #tpu.memory_space<vmem>>
      %dma_wait3A_673 = tpu.memref_squeeze %dma_wait3A_672 : memref<1x10240xf32, #tpu.memory_space<vmem>> -> memref<10240xf32, #tpu.memory_space<vmem>>
      %dma_wait3A_674 = arith.constant 471040 : i32
      %dma_wait3A_675 = tpu.memref_slice %arg2[%dma_wait3A_674] : memref<655360xf32, #tpu.memory_space<hbm>> -> memref<10240xf32, #tpu.memory_space<hbm>>
      tpu.wait_dma2 semaphore(%arg7 : memref<!tpu.dma_semaphore, #tpu.memory_space<semaphore_mem>>) src(%dma_wait3A_675 : memref<10240xf32, #tpu.memory_space<hbm>>) dst(%dma_wait3A_673 : memref<10240xf32, #tpu.memory_space<vmem>>)
      %dma_wait3A_676 = arith.constant 47 : i32
      %dma_wait3A_677 = arith.constant 0 : i32
      %dma_wait3A_678 = tpu.memref_slice %arg6[%dma_wait3A_676, %dma_wait3A_677] : memref<64x10240xf32, #tpu.memory_space<vmem>> -> memref<1x10240xf32, #tpu.memory_space<vmem>>
      %dma_wait3A_679 = tpu.memref_squeeze %dma_wait3A_678 : memref<1x10240xf32, #tpu.memory_space<vmem>> -> memref<10240xf32, #tpu.memory_space<vmem>>
      %dma_wait3A_680 = arith.constant 481280 : i32
      %dma_wait3A_681 = tpu.memref_slice %arg2[%dma_wait3A_680] : memref<655360xf32, #tpu.memory_space<hbm>> -> memref<10240xf32, #tpu.memory_space<hbm>>
      tpu.wait_dma2 semaphore(%arg7 : memref<!tpu.dma_semaphore, #tpu.memory_space<semaphore_mem>>) src(%dma_wait3A_681 : memref<10240xf32, #tpu.memory_space<hbm>>) dst(%dma_wait3A_679 : memref<10240xf32, #tpu.memory_space<vmem>>)
      %dma_wait3A_682 = arith.constant 48 : i32
      %dma_wait3A_683 = arith.constant 0 : i32
      %dma_wait3A_684 = tpu.memref_slice %arg6[%dma_wait3A_682, %dma_wait3A_683] : memref<64x10240xf32, #tpu.memory_space<vmem>> -> memref<1x10240xf32, #tpu.memory_space<vmem>>
      %dma_wait3A_685 = tpu.memref_squeeze %dma_wait3A_684 : memref<1x10240xf32, #tpu.memory_space<vmem>> -> memref<10240xf32, #tpu.memory_space<vmem>>
      %dma_wait3A_686 = arith.constant 491520 : i32
      %dma_wait3A_687 = tpu.memref_slice %arg2[%dma_wait3A_686] : memref<655360xf32, #tpu.memory_space<hbm>> -> memref<10240xf32, #tpu.memory_space<hbm>>
      tpu.wait_dma2 semaphore(%arg7 : memref<!tpu.dma_semaphore, #tpu.memory_space<semaphore_mem>>) src(%dma_wait3A_687 : memref<10240xf32, #tpu.memory_space<hbm>>) dst(%dma_wait3A_685 : memref<10240xf32, #tpu.memory_space<vmem>>)
      %dma_wait3A_688 = arith.constant 49 : i32
      %dma_wait3A_689 = arith.constant 0 : i32
      %dma_wait3A_690 = tpu.memref_slice %arg6[%dma_wait3A_688, %dma_wait3A_689] : memref<64x10240xf32, #tpu.memory_space<vmem>> -> memref<1x10240xf32, #tpu.memory_space<vmem>>
      %dma_wait3A_691 = tpu.memref_squeeze %dma_wait3A_690 : memref<1x10240xf32, #tpu.memory_space<vmem>> -> memref<10240xf32, #tpu.memory_space<vmem>>
      %dma_wait3A_692 = arith.constant 501760 : i32
      %dma_wait3A_693 = tpu.memref_slice %arg2[%dma_wait3A_692] : memref<655360xf32, #tpu.memory_space<hbm>> -> memref<10240xf32, #tpu.memory_space<hbm>>
      tpu.wait_dma2 semaphore(%arg7 : memref<!tpu.dma_semaphore, #tpu.memory_space<semaphore_mem>>) src(%dma_wait3A_693 : memref<10240xf32, #tpu.memory_space<hbm>>) dst(%dma_wait3A_691 : memref<10240xf32, #tpu.memory_space<vmem>>)
      %dma_wait3A_694 = arith.constant 50 : i32
      %dma_wait3A_695 = arith.constant 0 : i32
      %dma_wait3A_696 = tpu.memref_slice %arg6[%dma_wait3A_694, %dma_wait3A_695] : memref<64x10240xf32, #tpu.memory_space<vmem>> -> memref<1x10240xf32, #tpu.memory_space<vmem>>
      %dma_wait3A_697 = tpu.memref_squeeze %dma_wait3A_696 : memref<1x10240xf32, #tpu.memory_space<vmem>> -> memref<10240xf32, #tpu.memory_space<vmem>>
      %dma_wait3A_698 = arith.constant 512000 : i32
      %dma_wait3A_699 = tpu.memref_slice %arg2[%dma_wait3A_698] : memref<655360xf32, #tpu.memory_space<hbm>> -> memref<10240xf32, #tpu.memory_space<hbm>>
      tpu.wait_dma2 semaphore(%arg7 : memref<!tpu.dma_semaphore, #tpu.memory_space<semaphore_mem>>) src(%dma_wait3A_699 : memref<10240xf32, #tpu.memory_space<hbm>>) dst(%dma_wait3A_697 : memref<10240xf32, #tpu.memory_space<vmem>>)
      %dma_wait3A_700 = arith.constant 51 : i32
      %dma_wait3A_701 = arith.constant 0 : i32
      %dma_wait3A_702 = tpu.memref_slice %arg6[%dma_wait3A_700, %dma_wait3A_701] : memref<64x10240xf32, #tpu.memory_space<vmem>> -> memref<1x10240xf32, #tpu.memory_space<vmem>>
      %dma_wait3A_703 = tpu.memref_squeeze %dma_wait3A_702 : memref<1x10240xf32, #tpu.memory_space<vmem>> -> memref<10240xf32, #tpu.memory_space<vmem>>
      %dma_wait3A_704 = arith.constant 522240 : i32
      %dma_wait3A_705 = tpu.memref_slice %arg2[%dma_wait3A_704] : memref<655360xf32, #tpu.memory_space<hbm>> -> memref<10240xf32, #tpu.memory_space<hbm>>
      tpu.wait_dma2 semaphore(%arg7 : memref<!tpu.dma_semaphore, #tpu.memory_space<semaphore_mem>>) src(%dma_wait3A_705 : memref<10240xf32, #tpu.memory_space<hbm>>) dst(%dma_wait3A_703 : memref<10240xf32, #tpu.memory_space<vmem>>)
      %dma_wait3A_706 = arith.constant 52 : i32
      %dma_wait3A_707 = arith.constant 0 : i32
      %dma_wait3A_708 = tpu.memref_slice %arg6[%dma_wait3A_706, %dma_wait3A_707] : memref<64x10240xf32, #tpu.memory_space<vmem>> -> memref<1x10240xf32, #tpu.memory_space<vmem>>
      %dma_wait3A_709 = tpu.memref_squeeze %dma_wait3A_708 : memref<1x10240xf32, #tpu.memory_space<vmem>> -> memref<10240xf32, #tpu.memory_space<vmem>>
      %dma_wait3A_710 = arith.constant 532480 : i32
      %dma_wait3A_711 = tpu.memref_slice %arg2[%dma_wait3A_710] : memref<655360xf32, #tpu.memory_space<hbm>> -> memref<10240xf32, #tpu.memory_space<hbm>>
      tpu.wait_dma2 semaphore(%arg7 : memref<!tpu.dma_semaphore, #tpu.memory_space<semaphore_mem>>) src(%dma_wait3A_711 : memref<10240xf32, #tpu.memory_space<hbm>>) dst(%dma_wait3A_709 : memref<10240xf32, #tpu.memory_space<vmem>>)
      %dma_wait3A_712 = arith.constant 53 : i32
      %dma_wait3A_713 = arith.constant 0 : i32
      %dma_wait3A_714 = tpu.memref_slice %arg6[%dma_wait3A_712, %dma_wait3A_713] : memref<64x10240xf32, #tpu.memory_space<vmem>> -> memref<1x10240xf32, #tpu.memory_space<vmem>>
      %dma_wait3A_715 = tpu.memref_squeeze %dma_wait3A_714 : memref<1x10240xf32, #tpu.memory_space<vmem>> -> memref<10240xf32, #tpu.memory_space<vmem>>
      %dma_wait3A_716 = arith.constant 542720 : i32
      %dma_wait3A_717 = tpu.memref_slice %arg2[%dma_wait3A_716] : memref<655360xf32, #tpu.memory_space<hbm>> -> memref<10240xf32, #tpu.memory_space<hbm>>
      tpu.wait_dma2 semaphore(%arg7 : memref<!tpu.dma_semaphore, #tpu.memory_space<semaphore_mem>>) src(%dma_wait3A_717 : memref<10240xf32, #tpu.memory_space<hbm>>) dst(%dma_wait3A_715 : memref<10240xf32, #tpu.memory_space<vmem>>)
      %dma_wait3A_718 = arith.constant 54 : i32
      %dma_wait3A_719 = arith.constant 0 : i32
      %dma_wait3A_720 = tpu.memref_slice %arg6[%dma_wait3A_718, %dma_wait3A_719] : memref<64x10240xf32, #tpu.memory_space<vmem>> -> memref<1x10240xf32, #tpu.memory_space<vmem>>
      %dma_wait3A_721 = tpu.memref_squeeze %dma_wait3A_720 : memref<1x10240xf32, #tpu.memory_space<vmem>> -> memref<10240xf32, #tpu.memory_space<vmem>>
      %dma_wait3A_722 = arith.constant 552960 : i32
      %dma_wait3A_723 = tpu.memref_slice %arg2[%dma_wait3A_722] : memref<655360xf32, #tpu.memory_space<hbm>> -> memref<10240xf32, #tpu.memory_space<hbm>>
      tpu.wait_dma2 semaphore(%arg7 : memref<!tpu.dma_semaphore, #tpu.memory_space<semaphore_mem>>) src(%dma_wait3A_723 : memref<10240xf32, #tpu.memory_space<hbm>>) dst(%dma_wait3A_721 : memref<10240xf32, #tpu.memory_space<vmem>>)
      %dma_wait3A_724 = arith.constant 55 : i32
      %dma_wait3A_725 = arith.constant 0 : i32
      %dma_wait3A_726 = tpu.memref_slice %arg6[%dma_wait3A_724, %dma_wait3A_725] : memref<64x10240xf32, #tpu.memory_space<vmem>> -> memref<1x10240xf32, #tpu.memory_space<vmem>>
      %dma_wait3A_727 = tpu.memref_squeeze %dma_wait3A_726 : memref<1x10240xf32, #tpu.memory_space<vmem>> -> memref<10240xf32, #tpu.memory_space<vmem>>
      %dma_wait3A_728 = arith.constant 563200 : i32
      %dma_wait3A_729 = tpu.memref_slice %arg2[%dma_wait3A_728] : memref<655360xf32, #tpu.memory_space<hbm>> -> memref<10240xf32, #tpu.memory_space<hbm>>
      tpu.wait_dma2 semaphore(%arg7 : memref<!tpu.dma_semaphore, #tpu.memory_space<semaphore_mem>>) src(%dma_wait3A_729 : memref<10240xf32, #tpu.memory_space<hbm>>) dst(%dma_wait3A_727 : memref<10240xf32, #tpu.memory_space<vmem>>)
      %dma_wait3A_730 = arith.constant 56 : i32
      %dma_wait3A_731 = arith.constant 0 : i32
      %dma_wait3A_732 = tpu.memref_slice %arg6[%dma_wait3A_730, %dma_wait3A_731] : memref<64x10240xf32, #tpu.memory_space<vmem>> -> memref<1x10240xf32, #tpu.memory_space<vmem>>
      %dma_wait3A_733 = tpu.memref_squeeze %dma_wait3A_732 : memref<1x10240xf32, #tpu.memory_space<vmem>> -> memref<10240xf32, #tpu.memory_space<vmem>>
      %dma_wait3A_734 = arith.constant 573440 : i32
      %dma_wait3A_735 = tpu.memref_slice %arg2[%dma_wait3A_734] : memref<655360xf32, #tpu.memory_space<hbm>> -> memref<10240xf32, #tpu.memory_space<hbm>>
      tpu.wait_dma2 semaphore(%arg7 : memref<!tpu.dma_semaphore, #tpu.memory_space<semaphore_mem>>) src(%dma_wait3A_735 : memref<10240xf32, #tpu.memory_space<hbm>>) dst(%dma_wait3A_733 : memref<10240xf32, #tpu.memory_space<vmem>>)
      %dma_wait3A_736 = arith.constant 57 : i32
      %dma_wait3A_737 = arith.constant 0 : i32
      %dma_wait3A_738 = tpu.memref_slice %arg6[%dma_wait3A_736, %dma_wait3A_737] : memref<64x10240xf32, #tpu.memory_space<vmem>> -> memref<1x10240xf32, #tpu.memory_space<vmem>>
      %dma_wait3A_739 = tpu.memref_squeeze %dma_wait3A_738 : memref<1x10240xf32, #tpu.memory_space<vmem>> -> memref<10240xf32, #tpu.memory_space<vmem>>
      %dma_wait3A_740 = arith.constant 583680 : i32
      %dma_wait3A_741 = tpu.memref_slice %arg2[%dma_wait3A_740] : memref<655360xf32, #tpu.memory_space<hbm>> -> memref<10240xf32, #tpu.memory_space<hbm>>
      tpu.wait_dma2 semaphore(%arg7 : memref<!tpu.dma_semaphore, #tpu.memory_space<semaphore_mem>>) src(%dma_wait3A_741 : memref<10240xf32, #tpu.memory_space<hbm>>) dst(%dma_wait3A_739 : memref<10240xf32, #tpu.memory_space<vmem>>)
      %dma_wait3A_742 = arith.constant 58 : i32
      %dma_wait3A_743 = arith.constant 0 : i32
      %dma_wait3A_744 = tpu.memref_slice %arg6[%dma_wait3A_742, %dma_wait3A_743] : memref<64x10240xf32, #tpu.memory_space<vmem>> -> memref<1x10240xf32, #tpu.memory_space<vmem>>
      %dma_wait3A_745 = tpu.memref_squeeze %dma_wait3A_744 : memref<1x10240xf32, #tpu.memory_space<vmem>> -> memref<10240xf32, #tpu.memory_space<vmem>>
      %dma_wait3A_746 = arith.constant 593920 : i32
      %dma_wait3A_747 = tpu.memref_slice %arg2[%dma_wait3A_746] : memref<655360xf32, #tpu.memory_space<hbm>> -> memref<10240xf32, #tpu.memory_space<hbm>>
      tpu.wait_dma2 semaphore(%arg7 : memref<!tpu.dma_semaphore, #tpu.memory_space<semaphore_mem>>) src(%dma_wait3A_747 : memref<10240xf32, #tpu.memory_space<hbm>>) dst(%dma_wait3A_745 : memref<10240xf32, #tpu.memory_space<vmem>>)
      %dma_wait3A_748 = arith.constant 59 : i32
      %dma_wait3A_749 = arith.constant 0 : i32
      %dma_wait3A_750 = tpu.memref_slice %arg6[%dma_wait3A_748, %dma_wait3A_749] : memref<64x10240xf32, #tpu.memory_space<vmem>> -> memref<1x10240xf32, #tpu.memory_space<vmem>>
      %dma_wait3A_751 = tpu.memref_squeeze %dma_wait3A_750 : memref<1x10240xf32, #tpu.memory_space<vmem>> -> memref<10240xf32, #tpu.memory_space<vmem>>
      %dma_wait3A_752 = arith.constant 604160 : i32
      %dma_wait3A_753 = tpu.memref_slice %arg2[%dma_wait3A_752] : memref<655360xf32, #tpu.memory_space<hbm>> -> memref<10240xf32, #tpu.memory_space<hbm>>
      tpu.wait_dma2 semaphore(%arg7 : memref<!tpu.dma_semaphore, #tpu.memory_space<semaphore_mem>>) src(%dma_wait3A_753 : memref<10240xf32, #tpu.memory_space<hbm>>) dst(%dma_wait3A_751 : memref<10240xf32, #tpu.memory_space<vmem>>)
      %dma_wait3A_754 = arith.constant 60 : i32
      %dma_wait3A_755 = arith.constant 0 : i32
      %dma_wait3A_756 = tpu.memref_slice %arg6[%dma_wait3A_754, %dma_wait3A_755] : memref<64x10240xf32, #tpu.memory_space<vmem>> -> memref<1x10240xf32, #tpu.memory_space<vmem>>
      %dma_wait3A_757 = tpu.memref_squeeze %dma_wait3A_756 : memref<1x10240xf32, #tpu.memory_space<vmem>> -> memref<10240xf32, #tpu.memory_space<vmem>>
      %dma_wait3A_758 = arith.constant 614400 : i32
      %dma_wait3A_759 = tpu.memref_slice %arg2[%dma_wait3A_758] : memref<655360xf32, #tpu.memory_space<hbm>> -> memref<10240xf32, #tpu.memory_space<hbm>>
      tpu.wait_dma2 semaphore(%arg7 : memref<!tpu.dma_semaphore, #tpu.memory_space<semaphore_mem>>) src(%dma_wait3A_759 : memref<10240xf32, #tpu.memory_space<hbm>>) dst(%dma_wait3A_757 : memref<10240xf32, #tpu.memory_space<vmem>>)
      %dma_wait3A_760 = arith.constant 61 : i32
      %dma_wait3A_761 = arith.constant 0 : i32
      %dma_wait3A_762 = tpu.memref_slice %arg6[%dma_wait3A_760, %dma_wait3A_761] : memref<64x10240xf32, #tpu.memory_space<vmem>> -> memref<1x10240xf32, #tpu.memory_space<vmem>>
      %dma_wait3A_763 = tpu.memref_squeeze %dma_wait3A_762 : memref<1x10240xf32, #tpu.memory_space<vmem>> -> memref<10240xf32, #tpu.memory_space<vmem>>
      %dma_wait3A_764 = arith.constant 624640 : i32
      %dma_wait3A_765 = tpu.memref_slice %arg2[%dma_wait3A_764] : memref<655360xf32, #tpu.memory_space<hbm>> -> memref<10240xf32, #tpu.memory_space<hbm>>
      tpu.wait_dma2 semaphore(%arg7 : memref<!tpu.dma_semaphore, #tpu.memory_space<semaphore_mem>>) src(%dma_wait3A_765 : memref<10240xf32, #tpu.memory_space<hbm>>) dst(%dma_wait3A_763 : memref<10240xf32, #tpu.memory_space<vmem>>)
      %dma_wait3A_766 = arith.constant 62 : i32
      %dma_wait3A_767 = arith.constant 0 : i32
      %dma_wait3A_768 = tpu.memref_slice %arg6[%dma_wait3A_766, %dma_wait3A_767] : memref<64x10240xf32, #tpu.memory_space<vmem>> -> memref<1x10240xf32, #tpu.memory_space<vmem>>
      %dma_wait3A_769 = tpu.memref_squeeze %dma_wait3A_768 : memref<1x10240xf32, #tpu.memory_space<vmem>> -> memref<10240xf32, #tpu.memory_space<vmem>>
      %dma_wait3A_770 = arith.constant 634880 : i32
      %dma_wait3A_771 = tpu.memref_slice %arg2[%dma_wait3A_770] : memref<655360xf32, #tpu.memory_space<hbm>> -> memref<10240xf32, #tpu.memory_space<hbm>>
      tpu.wait_dma2 semaphore(%arg7 : memref<!tpu.dma_semaphore, #tpu.memory_space<semaphore_mem>>) src(%dma_wait3A_771 : memref<10240xf32, #tpu.memory_space<hbm>>) dst(%dma_wait3A_769 : memref<10240xf32, #tpu.memory_space<vmem>>)
      %dma_wait3A_772 = arith.constant 63 : i32
      %dma_wait3A_773 = arith.constant 0 : i32
      %dma_wait3A_774 = tpu.memref_slice %arg6[%dma_wait3A_772, %dma_wait3A_773] : memref<64x10240xf32, #tpu.memory_space<vmem>> -> memref<1x10240xf32, #tpu.memory_space<vmem>>
      %dma_wait3A_775 = tpu.memref_squeeze %dma_wait3A_774 : memref<1x10240xf32, #tpu.memory_space<vmem>> -> memref<10240xf32, #tpu.memory_space<vmem>>
      %dma_wait3A_776 = arith.constant 645120 : i32
      %dma_wait3A_777 = tpu.memref_slice %arg2[%dma_wait3A_776] : memref<655360xf32, #tpu.memory_space<hbm>> -> memref<10240xf32, #tpu.memory_space<hbm>>
      tpu.wait_dma2 semaphore(%arg7 : memref<!tpu.dma_semaphore, #tpu.memory_space<semaphore_mem>>) src(%dma_wait3A_777 : memref<10240xf32, #tpu.memory_space<hbm>>) dst(%dma_wait3A_775 : memref<10240xf32, #tpu.memory_space<vmem>>)
      %get3A_778 = arith.constant 0 : index
      %get3A_779 = vector.load %arg3[%get3A_778] : memref<10000xf32, #tpu.memory_space<vmem>>, vector<10000xf32>
      %broadcast_in_dim3A = arith.constant 0.000000e+00 : f32
      %broadcast_in_dim3A_780 = vector.broadcast %broadcast_in_dim3A : f32 to vector<240xf32>
      %concatenate3A = tpu.concatenate %get3A_779, %broadcast_in_dim3A_780 in 0 : vector<10000xf32>, vector<240xf32> -> vector<10240xf32>
      %broadcast_in_dim3A_781 = vector.shape_cast %concatenate3A : vector<10240xf32> to vector<1x10240xf32>
      %broadcast_in_dim3A_782 = vector.shape_cast %broadcast_in_dim3A_781 : vector<1x10240xf32> to vector<1x10240xf32>
      %broadcast_in_dim3A_783 = vector.broadcast %broadcast_in_dim3A_782 : vector<1x10240xf32> to vector<64x10240xf32>
      %get3A_784 = arith.constant 0 : index
      %get3A_785 = arith.constant 0 : index
      %get3A_786 = vector.load %arg6[%get3A_784, %get3A_785] : memref<64x10240xf32, #tpu.memory_space<vmem>>, vector<64x10240xf32>
      %mul3A_787 = arith.mulf %get3A_786, %broadcast_in_dim3A_783 : vector<64x10240xf32>
      %iota3A_788 = tpu.iota {dimensions = array<i32: 0>} : vector<64x128xi32>
      %iota3A_789 = tpu.iota {dimensions = array<i32: 1>} : vector<64x128xi32>
      %jit3A = arith.constant 2 : i32
      %eq3A_790 = arith.constant 0 : i32
      %eq3A_791 = arith.cmpi eq, %jit3A, %eq3A_790 : i32
      %jit3A_792 = arith.constant 1 : i32
      %select_n3A_793 = arith.select %eq3A_791, %jit3A_792, %jit3A : i32
      %rem3A = vector.broadcast %select_n3A_793 : i32 to vector<64x128xi32>
      %rem3A_794 = arith.remsi %iota3A_788, %rem3A : vector<64x128xi32>
      %ne3A = arith.constant 0 : i32
      %ne3A_795 = vector.broadcast %ne3A : i32 to vector<64x128xi32>
      %ne3A_796 = arith.cmpi ne, %rem3A_794, %ne3A_795 : vector<64x128xi32>
      %lt3A_797 = arith.constant 0 : i32
      %lt3A_798 = vector.broadcast %lt3A_797 : i32 to vector<64x128xi32>
      %lt3A_799 = arith.cmpi slt, %rem3A_794, %lt3A_798 : vector<64x128xi32>
      %lt3A_800 = arith.constant 0 : i32
      %lt3A_801 = arith.cmpi slt, %select_n3A_793, %lt3A_800 : i32
      %ne3A_802 = vector.broadcast %lt3A_801 : i1 to vector<64x128xi1>
      %ne3A_803 = vector.broadcast %ne3A_802 : vector<64x128xi1> to vector<64x128xi1>
      %ne3A_804 = arith.xori %lt3A_799, %ne3A_803 : vector<64x128xi1>
      %and3A = arith.andi %ne3A_804, %ne3A_796 : vector<64x128xi1>
      %add3A = vector.broadcast %select_n3A_793 : i32 to vector<64x128xi32>
      %add3A_805 = arith.addi %rem3A_794, %add3A : vector<64x128xi32>
      %select_n3A_806 = arith.select %and3A, %add3A_805, %rem3A_794 : vector<64x128xi1>, vector<64x128xi32>
      %eq3A_807 = arith.cmpi eq, %select_n3A_806, %iota3A_789 : vector<64x128xi32>
      %convert_element_type3A_808 = arith.extui %eq3A_807 : vector<64x128xi1> to vector<64x128xi32>
      %convert_element_type3A_809 = arith.sitofp %convert_element_type3A_808 : vector<64x128xi32> to vector<64x128xf32>
      %dot_general3A = arith.constant dense<0.000000e+00> : vector<10240x128xf32>
      %dot_general3A_810 = tpu.matmul %mul3A_787, %convert_element_type3A_809, %dot_general3A {dimension_numbers = #tpu.dot_dimension_numbers<[0], [0], [1], [1], [0, 1, 1, 1], [], []>, transpose_lhs_hint = false} : vector<64x10240xf32>, vector<64x128xf32>, vector<10240x128xf32> -> vector<10240x128xf32>
      %slice3A = vector.extract_strided_slice %dot_general3A_810 {offsets = [0, 0], sizes = [10000, 128], strides = [1, 1]} : vector<10240x128xf32> to vector<10000x128xf32>
      %swap3A_811 = arith.constant 0 : index
      %swap3A_812 = arith.constant 0 : index
      %swap3A_813 = vector.load %arg5[%swap3A_811, %swap3A_812] : memref<10000x128xf32, #tpu.memory_space<vmem>>, vector<10000x128xf32>
      tpu.vector_store %arg5[%swap3A_811, %swap3A_812], %slice3A {strides = array<i32>} : memref<10000x128xf32, #tpu.memory_space<vmem>>, vector<10000x128xf32>,
    } else {
    }
    %mul3A = arith.constant 2000 : i32
    %mul3A_2 = arith.muli %arg0, %mul3A : i32
    %get3A = arith.index_cast %mul3A_2 : i32 to index
    %get3A_3 = arith.constant 0 : index
    %get3A_4 = vector.load %arg5[%get3A, %get3A_3] : memref<10000x128xf32, #tpu.memory_space<vmem>>, vector<2000x128xf32>
    %iota3A = tpu.iota {dimensions = array<i32: 1>} : vector<2000x128xi32>
    %lt3A = arith.constant 2 : i32
    %lt3A_5 = vector.broadcast %lt3A : i32 to vector<2000x128xi32>
    %lt3A_6 = arith.cmpi slt, %iota3A, %lt3A_5 : vector<2000x128xi32>
    %get3A_7 = arith.constant 0 : index
    %get3A_8 = arith.constant 0 : index
    %get3A_9 = vector.load %arg1[%get3A_7, %get3A_8] : memref<2000x128xf32, #tpu.memory_space<vmem>>, vector<2000x128xf32>
    %select_n3A = arith.select %lt3A_6, %get3A_4, %get3A_9 : vector<2000x128xi1>, vector<2000x128xf32>
    %swap3A = arith.constant 0 : index
    %swap3A_10 = arith.constant 0 : index
    %swap3A_11 = vector.load %arg4[%swap3A, %swap3A_10] : memref<2000x128xf32, #tpu.memory_space<vmem>>, vector<2000x128xf32>
    tpu.vector_store %arg4[%swap3A, %swap3A_10], %select_n3A {strides = array<i32>} : memref<2000x128xf32, #tpu.memory_space<vmem>>, vector<2000x128xf32>,
    return
  }
  func.func @transform_0(%arg0: i32) -> (i32, i32) {
    %c0_i32 = arith.constant 0 : i32
    %c0_i32_0 = arith.constant 0 : i32
    return %arg0, %c0_i32 : i32, i32
  }
  func.func @transform_2(%arg0: i32) -> i32 {
    %c0_i32 = arith.constant 0 : i32
    %c0_i32_0 = arith.constant 0 : i32
    return %c0_i32 : i32
  }
  func.func @transform_3(%arg0: i32) -> (i32, i32) {
    %c0_i32 = arith.constant 0 : i32
    %c0_i32_0 = arith.constant 0 : i32
    return %arg0, %c0_i32 : i32, i32
  }
}

</mosaic_0001>

<sc_bundles>
// kernel: kernel.4.cloned.1.call-start
scs
__scs_entry_jumppad:
0x0: {  	(pc) =	sbr.rel $0x88, $3  }
0x1: {  	(tag) =	ssettag $0x0;
	lr =	simm.s32 $0x1  }
0x2: {  	[smem:$0x3F9E] =	sst lr;
	_ =	strace $0xD0000000  }
0x3: {  	_ = 	snop  }
0x4: {  	_ = 	snop  }
0x5: {  	_ = 	snop  }
0x6: {  	_ = 	snop  }
0x7: {  	_ = 	snop  }
__scs_overlays_trampoline_lowered:
0x8: {  	[smem:$0x3FAD] =	sst s0  }
0x9: {  	[smem:$0x3FAE] =	sst s1  }
0xa: {  	[smem:$0x3FAF] =	sst s2  }
0xb: {  	[smem:$0x3FB0] =	sst s3  }
0xc: {  	[smem:$0x3FB1] =	sst s4  }
0xd: {  	[smem:$0x3FB2] =	sst s5  }
0xe: {  	[smem:$0x3FB3] =	sst s6  }
0xf: {  	[smem:$0x3FB4] =	sst s7  }
0x10: {  	[smem:$0x3FB5] =	sst s8  }
0x11: {  	[smem:$0x3FB6] =	sst s9;
	s0 =	simm.s32 @!p0 $0x0  }
0x12: {  	s1 =	sld [smem:$0x3F9C];
	s0 =	simm.s32 @p0 $0x1  }
0x13: {  	[smem:$0x3FB7] =	sst s0;
	s0 =	simm.s32 @!p1 $0x0  }
0x14: {  	s2 =	sld [smem:$0x3F9B];
	s0 =	simm.s32 @p1 $0x1  }
0x15: {  	[smem:$0x3FB8] =	sst s0;
	s0 =	simm.s32 @!p2 $0x0  }
0x16: {  	s3 =	sld [smem:$0x3FDB];
	s0 =	simm.s32 @p2 $0x1  }
0x17: {  	s4 =	simm.s32 $0x1BF5;
	[smem:$0x3FBA] =	sst s0  }
0x18: {  	s0 =	sld [smem:$0x3F9D];
	_ =	swait.ge [sflag:s4], $0x0  }
0x19: {  	s7 =	sld [smem:$0x3F9E]  }
0x1a: {  	s8 =	sadd.s32 $0xFFFFE003, lr  }
0x1b: {  	s9 =	sadd.s32 $0xFFFFFEF7, lr;
	s5 =	simm.s32 $0xFFFFFFFF;
	p2 =	slt.u32 s8, $0xFFFFF086  }
0x1c: {  	p1 =	slt.u32 s9, $0xF7A;
	s5 =	simm.s32 @!p2 $0x0  }
0x1d: {  	s5 =	simm.s32 @p1 $0x1;
	p0 =	seq.s32 s7, s2  }
0x1e: {  	s7 =	smul.u32 @!p0 $0xF7A, s2;
	p2 =	seq.s32 @!p0 s5, $0x0  }
0x1f: {  	s9 =	smul.u32 $0xF7A, s1;
	s8 =	simm.s32 @!p0 $0x1BF5;
	p2 =	por !p2, p0  }
0x20: {  	[sflag:s8] =	ssyncset.s32 @!p0 $0xFFFFF086;
	s6 =	sadd.s32 @!p0 s3, s7;
	s7 =	simm.s32 @!p0 $0x108  }
0x21: {  	s3 =	sadd.s32 s3, s9;
	s6 =	sadd.s32 @!p0 $0x88, s6;
	s7 =	simm.s32 @p2 $0x1082  }
0x22: {  	[simem:s7], [sflag:s8] =	dma.local @!p0 [hbm:s6], $0xF7A  }
0x23: {  	s9 =	sor.u32 $0xD0000000, s2;
	s6 =	simm.s32 $0x108;
	_ =	swait.ge @!p0 [sflag:s8], $0x0  }
0x24: {  	s3 =	sadd.s32 $0x88, s3;
	s6 =	simm.s32 @!p1 $0x1082;
	[sflag:s4] =	ssyncset.s32 $0xFFFFF086  }
0x25: {  	[simem:s6], [sflag:s4] =	dma.local [hbm:s3], $0xF7A  }
0x26: {  	[smem:$0x3F9E] =	sst s1;
	(tag) =	ssettag s2;
	_ =	strace s9  }
0x27: {  	s1 =	sld [smem:$0x3FAE]  }
0x28: {  	s2 =	sld [smem:$0x3FAF]  }
0x29: {  	s4 =	sld [smem:$0x3FB1]  }
0x2a: {  	p0 =	seq.s32 s5, $0x0;
	s5 =	sld [smem:$0x3FB2]  }
0x2b: {  	s6 =	sld [smem:$0x3FB3]  }
0x2c: {  	s7 =	sld [smem:$0x3FB4]  }
0x2d: {  	s3 =	simm.s32 $0x108;
	s8 =	sld [smem:$0x3FB5]  }
0x2e: {  	s3 =	simm.s32 @!p0 $0x1082;
	s9 =	sld [smem:$0x3FB6]  }
0x2f: {  	lr =	sadd.s32 s0, s3;
	s0 =	sld [smem:$0x3FAD]  }
0x30: {  	s3 =	sld [smem:$0x3FB0]  }
0x31: {  	[smem:$0x3FB9] =	sst s10  }
0x32: {  	s10 =	sld [smem:$0x3FB7];
	_ =	sdelay $0x3  }
0x33: {  	p0 =	seq.s32 s10, $0x1;
	s10 =	sld [smem:$0x3FB9];
	_ =	sdelay $0x3  }
0x34: {  	[smem:$0x3FB9] =	sst s10  }
0x35: {  	s10 =	sld [smem:$0x3FB8];
	_ =	sdelay $0x3  }
0x36: {  	p1 =	seq.s32 s10, $0x1;
	s10 =	sld [smem:$0x3FB9];
	_ =	sdelay $0x3  }
0x37: {  	[smem:$0x3FB9] =	sst s10  }
0x38: {  	s10 =	sld [smem:$0x3FBA]  }
0x39: {  	_ = 	snop;
	(pc) =	sbr.ind lr, $3  }
0x3a: {  	_ = 	snop  }
0x3b: {  	_ = 	snop  }
0x3c: {  	p2 =	seq.s32 s10, $0x1;
	s10 =	sld [smem:$0x3FB9]  }
0x3d: {  	_ =	shalt  }
0x3e: {  	_ =	shalt  }
0x3f: {  	_ =	shalt  }
0x40: {  	_ =	shalt  }
0x41: {  	_ =	shalt  }
0x42: {  	_ =	shalt  }
0x43: {  	_ =	shalt  }
0x44: {  	_ =	shalt  }
0x45: {  	_ =	shalt  }
0x46: {  	_ =	shalt  }
0x47: {  	_ =	shalt  }
0x48: {  	_ =	shalt  }
0x49: {  	_ =	shalt  }
0x4a: {  	_ =	shalt  }
0x4b: {  	_ =	shalt  }
0x4c: {  	_ =	shalt  }
0x4d: {  	_ =	shalt  }
0x4e: {  	_ =	shalt  }
0x4f: {  	_ =	shalt  }
0x50: {  	_ =	shalt  }
0x51: {  	_ =	shalt  }
0x52: {  	_ =	shalt  }
0x53: {  	_ =	shalt  }
0x54: {  	_ =	shalt  }
0x55: {  	_ =	shalt  }
0x56: {  	_ =	shalt  }
0x57: {  	_ =	shalt  }
0x58: {  	_ =	shalt  }
0x59: {  	_ =	shalt  }
0x5a: {  	_ =	shalt  }
0x5b: {  	_ =	shalt  }
0x5c: {  	_ =	shalt  }
0x5d: {  	_ =	shalt  }
0x5e: {  	_ =	shalt  }
0x5f: {  	_ =	shalt  }
0x60: {  	_ =	shalt  }
0x61: {  	_ =	shalt  }
0x62: {  	_ =	shalt  }
0x63: {  	_ =	shalt  }
0x64: {  	_ =	shalt  }
0x65: {  	_ =	shalt  }
0x66: {  	_ =	shalt  }
0x67: {  	_ =	shalt  }
0x68: {  	_ =	shalt  }
0x69: {  	_ =	shalt  }
0x6a: {  	_ =	shalt  }
0x6b: {  	_ =	shalt  }
0x6c: {  	_ =	shalt  }
0x6d: {  	_ =	shalt  }
0x6e: {  	_ =	shalt  }
0x6f: {  	_ =	shalt  }
0x70: {  	_ =	shalt  }
0x71: {  	_ =	shalt  }
0x72: {  	_ =	shalt  }
0x73: {  	_ =	shalt  }
0x74: {  	_ =	shalt  }
0x75: {  	_ =	shalt  }
0x76: {  	_ =	shalt  }
0x77: {  	_ =	shalt  }
0x78: {  	_ =	shalt  }
0x79: {  	_ =	shalt  }
0x7a: {  	_ =	shalt  }
0x7b: {  	_ =	shalt  }
0x7c: {  	_ =	shalt  }
0x7d: {  	_ =	shalt  }
0x7e: {  	_ =	shalt  }
0x7f: {  	_ =	shalt  }
0x80: {  	_ =	shalt  }
0x81: {  	_ =	shalt  }
0x82: {  	_ =	shalt  }
0x83: {  	_ =	shalt  }
0x84: {  	_ =	shalt  }
0x85: {  	_ =	shalt  }
0x86: {  	_ =	shalt  }
0x87: {  	_ =	shalt  }
.Lfunc_end0:
.L_simem_size_0:
called_computation_lowered:
.L_overlay_start_0:
0x88: {  	s2 =	sld [smem:$0x3FD9]  }
0x89: {  	s3 =	sld [smem:$0x3FFE];
	_ =	sdelay $0x1  }
0x8a: {  	s1 =	srdreg.scid  }
0x8b: {  	s0 =	sand.u32 $0x1, s1  }
0x8c: {  	s18 =	sshll.u32 s0, $0xA;
	s2 =	sadd.s32 s3, s2  }
0x8d: {  	s2 =	sadd.s32 s2, s18  }
0x8e: {  	[smem:$0x3FC5] =	sst s2  }
0x8f: {  	_ = 	snop  }
0x90: {  	s2 =	sld [smem:$0x3FC8]  }
0x91: {  	s19 =	sld [smem:$0x3FD0];
	(tm) =	ssettm $0x1  }
0x92: {  	s4 =	sld [smem:$0x3FFB];
	_ =	sdelay $0x3  }
0x93: {  	_ =	strace s4  }
0x94: {  	s4 =	sld [smem:$0x3FFC];
	_ =	sdelay $0x3  }
0x95: {  	_ =	strace s4  }
0x96: {  	s4 =	sld [smem:$0x3FFD];
	_ =	sdelay $0x3  }
0x97: {  	_ =	strace s4  }
0x98: {  	_ =	strace $0x8FFFFFFF  }
0x99: {  	s20 =	sld [smem:$0x3FDB];
	_ =	sdelay $0x1  }
0x9a: {  	s5 =	simm.s32 $_scs_section_size  }
0x9b: {  	s6 =	simm.s32 $_size__tile_overlayer_lowered;
	s7 =	simm.s32 $_tile_overlayer_lowered  }
0x9c: {  	s23 =	simm.s32 $0x1BFF;
	s22 =	sshll.u32 s7, $0x1;
	s4 =	sadd.s32 s5, s20  }
0x9d: {  	s8 =	simm.s32 $0x0;
	s21 =	sshll.u32 s6, $0x1;
	s6 =	sadd.s32 s22, s4  }
0x9e: {  	[timem:s8], [sflag:s23] =	dma.local [hbm:s6], s21  }
0x9f: {  	_ =	swait.ge [sflag:s23], s21  }
0xa0: {  	s5 =	ssub.s32 $0x0, s21;
	[sflag:s23] =	ssyncset.done $0x0  }
0xa1: {  	[sflag:s23] =	ssyncadd.s32 s5;
	_ =	sdelay $0x1  }
0xa2: {  	s24 =	simm.s32 $0x1B8B  }
0xa3: {  	_ =	swait.ge [sflag:s24], $0x1  }
0xa4: {  	[sflag:s24] =	ssyncset.done $0x0  }
0xa5: {  	s25 =	simm.s32 $0x1B8E;
	[sflag:s24] =	ssyncadd.s32 $0xFFFFFFFF  }
0xa6: {  	s26 =	simm.s32 $execute0_lowered;
	[smem:$0x3FD2] =	sst s25  }
0xa7: {  	s5 =	sshll.u32 s26, $0x1;
	_ =	strace $0x80000046;
	[dreg:$0x1] =	wrdreg $0xFFFFFFFF  }
0xa8: {  	s28 =	simm.s32 $_size_execute0_lowered;
	s4 =	sadd.s32 s4, s5;
	[dreg:$0x0] =	wrdreg $0x0  }
0xa9: {  	s5 =	sshll.u32 s28, $0x1;
	[dreg:$0x2] =	wrdreg s4  }
0xaa: {  	[dreg:$0x3] =	wrdreg s5  }
0xab: {  	[dreg:$0x4] =	wrdreg $0xC0  }
0xac: {  	_ =	task [dreg:s8], $0x5FFFF  }
0xad: {  	[dreg:$0x1] =	wrdreg $0xFFFFFFFF  }
0xae: {  	[dreg:$0x0] =	wrdreg $0x60  }
0xaf: {  	[dreg:$0x2] =	wrdreg s2  }
0xb0: {  	[dreg:$0x3] =	wrdreg s19  }
0xb1: {  	[dreg:$0x4] =	wrdreg $0x9  }
0xb2: {  	_ =	task.clear_ibuf [dreg:s8], $0x5FFFF;
	_ =	strace $0x90000046  }
0xb3: {  	s29 =	simm.s32 $0x9;
	_ =	strace $0x80000048  }
0xb4: {  	_ =	swait.ge [sflag:s29], $0x1  }
0xb5: {  	[sflag:s29] =	ssyncadd.s32 $0xFFFFFFFF  }
0xb6: {  	_ =	strace $0x90000048  }
0xb7: {  	_ =	sfence  }
0xb8: {  	s30 =	sld [smem:$0x0];
	_ =	sdelay $0x2  }
0xb9: {  	s31 =	sshll.u32 s1, $0xD;
	s1 =	sshrl.u32 s1, $0x2  }
0xba: {  	s3 =	sand.u32 $0x4000, s31;
	s1 =	sadd.s32 s1, s30  }
0xbb: {  	s0 =	sor.u32 s3, s0;
	s1 =	sshll.u32 s1, $0x11  }
0xbc: {  	s0 =	sor.u32 s1, s0  }
0xbd: {  	s0 =	sadd.s32 $0x8F2B, s0  }
0xbe: {  	[sflag:s0] =	ssyncadd.remote.s32 $0x1  }
0xbf: {  	_ =	sfence.sel $0xFFFF  }
0xc0: {  	[dreg:$0x0] =	wrdreg $0xFFFFFFFF;
	(pc) =	sbr.abs _section_cstart, $3  }
0xc1: {  	[dreg:$0x1] =	wrdreg $0xFFFFFFFF  }
0xc2: {  	_ =	task.clear_ibuf [dreg:s8], $0x2FFFF;
	_ =	strace $0x9FFFFFFF  }
0xc3: {  	(tm) =	ssettm $0x7FFFFFFF  }
tec
execute0_lowered:
.L_overlay_start_1:
0x0: {  	(tag) =	ssettag $0x1  }
0x1: {  	s1 =	srdreg.scid;
	s0 =	stileid.u32  }
0x2: {  	s4 =	rddreg [dreg:$0x0];
	s3 =	sand.u32 $0x1, s1;
	s2 =	sshll.u32 s0, $0x1  }
0x3: {  	s5 =	rddreg [dreg:$0x1];
	s10 =	simm.s32 $0x0;
	s7 =	sor.u32 s3, s2  }
0x4: {  	s1 =	rddreg [dreg:$0x2];
	s2 =	simm.s32 $0x0;
	s6 =	smul.u32 $0x9C0, s7  }
.Ltmp0:
0x5: {  	s3 =	ssub.s32 $0x2, s3;
	[smem:$0x7FF] =	sst s2;
	(pc) =	sbr.rel .LBB2_1-.Ltmp0, $4  }
0x6: {  	s8 =	sshrl.u32 s3, $0x1;
	s9 =	smul.u32 $0xA00, s7;
	p0 =	sne.s32 s7, $0x1F  }
0x7: {  	s7 =	simm.s32 $0x1;
	_ =	strace $0x80000047;
	s8 =	ssub.s32 s3, s8  }
0x8: {  	s3 =	sadd.s32 s4, s6;
	s4 =	sadd.s32 $0x13800, s4;
	s5 =	sadd.s32 s5, s9  }
0x9: {  	v0 =	vimm.f32 $0.0e+00;
	v1 =	vimm.f32 $1.000000000e+00;
	s6 =	smax.u32 s8, $0x1;
	s8 =	simm.s32 $0x5200;
	s9 =	simm.s32 $0x3  }
.LBB2_8:
0xa: {  	_ =	sdelay $0x2  }
0xb: {  	v6 =	vld [tilespmem:s14+$0x4E80]  }
0xc: {  	[tilespmem:v2+s8+$0x0] =	vst.idx.add.f32.msk $0xffff, v1  }
0xd: {  	[tilespmem:v5+s8+$0x0] =	vst.idx.add.f32.msk $0xffff, v1  }
0xe: {  	v2 =	vld [tilespmem:s12+$0x80]  }
0xf: {  	v5 =	vld [tilespmem:s13+$0x4E80];
	_ =	sdelay $0x1  }
0x10: {  	v3 =	vadd.s32 $0x2800, v3  }
0x11: {  	v6 =	vadd.s32 $0x2800, v6  }
0x12: {  	v2 =	vadd.s32 $0x2800, v2  }
0x13: {  	v5 =	vadd.s32 $0x2800, v5  }
0x14: {  	[tilespmem:v4+s8+$0x0] =	vst.idx.add.f32.msk $0xffff, v1  }
0x15: {  	[tilespmem:v3+s8+$0x0] =	vst.idx.add.f32.msk $0xffff, v1  }
0x16: {  	[tilespmem:v6+s8+$0x0] =	vst.idx.add.f32.msk $0xffff, v1  }
0x17: {  	[tilespmem:v2+s8+$0x0] =	vst.idx.add.f32.msk $0xffff, v1  }
0x18: {  	[tilespmem:v5+s8+$0x0] =	vst.idx.add.f32.msk $0xffff, v1  }
.LBB2_9:
0x19: {  	s10 =	sadd.s32 $0x1, s10  }
0x1a: {  	p1 =	sne.s32 s10, s6  }
.Ltmp1:
0x1b: {  	_ = 	snop;
	(pc) =	sbr.rel @!p1 .LBB2_10-.Ltmp1, $4  }
0x1c: {  	[hbm4b:s5+s2] =	stream.linear.scatter [tilespmem:s8], [sflag:$0x3], $0x5000, $0x38;
	[tilespmem:$0xA200] =	vst v63  }
0x1d: {  	_ =	swait.ge [sflag:s9], $0x5000  }
0x1e: {  	[sflag:s9] =	ssyncset.done $0x0  }
0x1f: {  	[sflag:s9] =	ssyncadd.s32 $0xFFFFB000  }
.LBB2_1:
0x20: {  	[tilespmem:s2], [sflag:$0x1] =	stream.linear.gather [hbm4b:s3+s2], $0x4E00, $0x38;
	[tilespmem:$0xA200] =	vst v63  }
0x21: {  	s11 =	simm.s32 @!p0 $0x0;
	s12 =	simm.s32 @!p0 $0x4E00  }
0x22: {  	[tilespmem:s12], [sflag:$0x2] =	stream.linear.gather @!p0 [hbm4b:s4+s11], $0x400, $0x38;
	[tilespmem:$0xA200] =	vst v63  }
0x23: {  	s11 =	simm.s32 $0x5220  }
0x24: {  	[tilespmem:s11+$0xFFFFFFE0] =	vst v0  }
0x25: {  	[tilespmem:s11+$0x10] =	vst v0  }
0x26: {  	s12 =	simm.s32 $0x0;
	[tilespmem:s11+$0x0] =	vst v0  }
.LBB2_2:
0x27: {  	s12 =	sadd.s32 $0x4, s12  }
0x28: {  	[tilespmem:s11+$0xFFFFFFF0] =	vst v0;
	s11 =	sadd.s32 $0x40, s11;
	p1 =	slt.u32 s12, $0x4FC  }
.Ltmp2:
0x29: {  	[tilespmem:s11+$0xFFFFFFE0] =	vst v0;
	(pc) =	sbr.rel @p1 .LBB2_2-.Ltmp2, $3  }
0x2a: {  	_ =	sdelay $0x1  }
0x2b: {  	[tilespmem:s11+$0x10] =	vst v0  }
0x2c: {  	[tilespmem:s11+$0x0] =	vst v0  }
0x2d: {  	[tilespmem:s11+$0xFFFFFFF0] =	vst v0  }
0x2e: {  	_ =	swait.ge [sflag:s7], $0x4E00  }
0x2f: {  	[sflag:s7] =	ssyncset.done $0x0  }
0x30: {  	s11 =	simm.s32 @!p0 $0x2;
	[sflag:s7] =	ssyncadd.s32 $0xFFFFB200  }
0x31: {  	_ =	swait.ge @!p0 [sflag:s11], $0x400  }
0x32: {  	[sflag:s11] =	ssyncset.done @!p0 $0x0  }
0x33: {  	[sflag:s11] =	ssyncadd.s32 @!p0 $0xFFFFFC00;
	s11 =	simm.s32 $0x100  }
0x34: {  	v4 =	vld [tilespmem:s11+$0xFFFFFF20]  }
0x35: {  	v5 =	vld [tilespmem:s11+$0xFFFFFF50]  }
0x36: {  	v6 =	vld [tilespmem:s11+$0xFFFFFF40]  }
0x37: {  	v7 =	vld [tilespmem:s11+$0xFFFFFF60]  }
0x38: {  	v3 =	vld [tilespmem:s11+$0xFFFFFF30]  }
0x39: {  	v8 =	vld [tilespmem:s11+$0x40]  }
0x3a: {  	v2 =	vld [tilespmem:s11+$0xFFFFFF10]  }
0x3b: {  	v9 =	vld [tilespmem:s11+$0x20]  }
0x3c: {  	v10 =	vld [tilespmem:s11+$0x30]  }
0x3d: {  	v11 =	vld [tilespmem:s11+$0xFFFFFF00]  }
0x3e: {  	v14 =	vld [tilespmem:s11+$0x70]  }
0x3f: {  	v15 =	vld [tilespmem:s11+$0x60]  }
0x40: {  	v16 =	vld [tilespmem:s11+$0x50]  }
0x41: {  	v12 =	vld [tilespmem:s11+$0xFFFFFF70]  }
0x42: {  	v13 =	vld [tilespmem:s11+$0x0]  }
0x43: {  	v17 =	vld [tilespmem:s11+$0x10]  }
0x44: {  	[tilespmem:v2+s8+$0x0] =	vst.idx.add.f32.msk $0xffff, v1  }
0x45: {  	[tilespmem:v11+s8+$0x0] =	vst.idx.add.f32.msk $0xffff, v1  }
0x46: {  	[tilespmem:v14+s8+$0x0] =	vst.idx.add.f32.msk $0xffff, v1  }
0x47: {  	[tilespmem:v15+s8+$0x0] =	vst.idx.add.f32.msk $0xffff, v1  }
0x48: {  	[tilespmem:v16+s8+$0x0] =	vst.idx.add.f32.msk $0xffff, v1  }
0x49: {  	[tilespmem:v8+s8+$0x0] =	vst.idx.add.f32.msk $0xffff, v1  }
0x4a: {  	[tilespmem:v10+s8+$0x0] =	vst.idx.add.f32.msk $0xffff, v1  }
0x4b: {  	[tilespmem:v9+s8+$0x0] =	vst.idx.add.f32.msk $0xffff, v1  }
0x4c: {  	[tilespmem:v17+s8+$0x0] =	vst.idx.add.f32.msk $0xffff, v1  }
0x4d: {  	[tilespmem:v13+s8+$0x0] =	vst.idx.add.f32.msk $0xffff, v1  }
0x4e: {  	[tilespmem:v12+s8+$0x0] =	vst.idx.add.f32.msk $0xffff, v1  }
0x4f: {  	[tilespmem:v3+s8+$0x0] =	vst.idx.add.f32.msk $0xffff, v1  }
0x50: {  	[tilespmem:v6+s8+$0x0] =	vst.idx.add.f32.msk $0xffff, v1  }
0x51: {  	[tilespmem:v7+s8+$0x0] =	vst.idx.add.f32.msk $0xffff, v1  }
0x52: {  	v11 =	vld [tilespmem:s11+$0xFFFFFF80]  }
0x53: {  	[tilespmem:v5+s8+$0x0] =	vst.idx.add.f32.msk $0xffff, v1  }
0x54: {  	v15 =	vld [tilespmem:s11+$0xE0]  }
0x55: {  	[tilespmem:v4+s8+$0x0] =	vst.idx.add.f32.msk $0xffff, v1  }
0x56: {  	v2 =	vld [tilespmem:s11+$0xFFFFFF90]  }
0x57: {  	v16 =	vld [tilespmem:s11+$0xD0];
	v11 =	vadd.s32 $0x2800, v11  }
0x58: {  	v14 =	vld [tilespmem:s11+$0xF0]  }
0x59: {  	v18 =	vld [tilespmem:s11+$0xC0];
	v8 =	vadd.s32 $0x2800, v15  }
0x5a: {  	v10 =	vld [tilespmem:s11+$0xB0]  }
0x5b: {  	v9 =	vld [tilespmem:s11+$0xA0]  }
0x5c: {  	[tilespmem:v11+s8+$0x0] =	vst.idx.add.f32.msk $0xffff, v1;
	v11 =	vadd.s32 $0x2800, v16  }
0x5d: {  	v3 =	vld [tilespmem:s11+$0xFFFFFFB0]  }
0x5e: {  	[tilespmem:v8+s8+$0x0] =	vst.idx.add.f32.msk $0xffff, v1  }
0x5f: {  	v8 =	vld [tilespmem:s11+$0xFFFFFFD0]  }
0x60: {  	v6 =	vadd.s32 $0x2800, v9;
	v9 =	vld [tilespmem:s11+$0xFFFFFFE0]  }
0x61: {  	s12 =	simm.s32 $0x0;
	s13 =	simm.s32 $0x100;
	v5 =	vadd.s32 $0x2800, v14;
	v4 =	vadd.s32 $0x2800, v18;
	v7 =	vadd.s32 $0x2800, v10;
	[tilespmem:v11+s8+$0x0] =	vst.idx.add.f32.msk $0xffff, v1  }
.LBB2_4:
0x62: {  	s12 =	sadd.s32 $0x10, s12;
	v10 =	vld [tilespmem:s11+$0xFFFFFFC0];
	s13 =	sadd.s32 $0x200, s13  }
0x63: {  	p1 =	slt.u32 s12, $0x260;
	v11 =	vld [tilespmem:s11+$0x80]  }
0x64: {  	v8 =	vadd.s32 $0x2800, v8;
	v12 =	vld [tilespmem:s11+$0x90]  }
0x65: {  	v13 =	vld [tilespmem:s11+$0xFFFFFFA0]  }
0x66: {  	v9 =	vadd.s32 $0x2800, v9;
	v14 =	vld [tilespmem:s11+$0xFFFFFFF0];
	s11 =	smov.u32 s13  }
0x67: {  	[tilespmem:v5+s8+$0x0] =	vst.idx.add.f32.msk $0xffff, v1  }
0x68: {  	v2 =	vadd.s32 $0x2800, v2;
	v5 =	vadd.s32 $0x2800, v10;
	v10 =	vadd.s32 $0x2800, v11;
	[tilespmem:v6+s8+$0x0] =	vst.idx.add.f32.msk $0xffff, v1  }
0x69: {  	[tilespmem:v8+s8+$0x0] =	vst.idx.add.f32.msk $0xffff, v1;
	v6 =	vadd.s32 $0x2800, v12  }
0x6a: {  	v3 =	vadd.s32 $0x2800, v3;
	v8 =	vadd.s32 $0x2800, v13;
	[tilespmem:v7+s8+$0x0] =	vst.idx.add.f32.msk $0xffff, v1  }
0x6b: {  	[tilespmem:v9+s8+$0x0] =	vst.idx.add.f32.msk $0xffff, v1;
	v7 =	vadd.s32 $0x2800, v14  }
0x6c: {  	[tilespmem:v4+s8+$0x0] =	vst.idx.add.f32.msk $0xffff, v1  }
0x6d: {  	[tilespmem:v5+s8+$0x0] =	vst.idx.add.f32.msk $0xffff, v1  }
0x6e: {  	[tilespmem:v10+s8+$0x0] =	vst.idx.add.f32.msk $0xffff, v1  }
0x6f: {  	[tilespmem:v8+s8+$0x0] =	vst.idx.add.f32.msk $0xffff, v1  }
0x70: {  	[tilespmem:v7+s8+$0x0] =	vst.idx.add.f32.msk $0xffff, v1  }
0x71: {  	[tilespmem:v6+s8+$0x0] =	vst.idx.add.f32.msk $0xffff, v1  }
0x72: {  	[tilespmem:v2+s8+$0x0] =	vst.idx.add.f32.msk $0xffff, v1  }
0x73: {  	[tilespmem:v3+s8+$0x0] =	vst.idx.add.f32.msk $0xffff, v1  }
0x74: {  	v7 =	vld [tilespmem:s13+$0xFFFFFF20]  }
0x75: {  	v4 =	vld [tilespmem:s13+$0xFFFFFF50]  }
0x76: {  	v6 =	vld [tilespmem:s13+$0xFFFFFF40]  }
0x77: {  	v8 =	vld [tilespmem:s13+$0xFFFFFF60]  }
0x78: {  	v3 =	vld [tilespmem:s13+$0xFFFFFF30]  }
0x79: {  	v5 =	vld [tilespmem:s13+$0x40]  }
0x7a: {  	v2 =	vld [tilespmem:s13+$0xFFFFFF10]  }
0x7b: {  	v9 =	vld [tilespmem:s13+$0x20]  }
0x7c: {  	v10 =	vld [tilespmem:s13+$0x30]  }
0x7d: {  	v11 =	vld [tilespmem:s13+$0xFFFFFF00]  }
0x7e: {  	v12 =	vld [tilespmem:s13+$0xFFFFFF70]  }
0x7f: {  	v13 =	vld [tilespmem:s13+$0x0]  }
0x80: {  	v14 =	vld [tilespmem:s13+$0x70]  }
0x81: {  	v15 =	vld [tilespmem:s13+$0x60]  }
0x82: {  	v16 =	vld [tilespmem:s13+$0x50]  }
0x83: {  	[tilespmem:v2+s8+$0x0] =	vst.idx.add.f32.msk $0xffff, v1  }
0x84: {  	v2 =	vld [tilespmem:s13+$0xFFFFFF90]  }
0x85: {  	[tilespmem:v11+s8+$0x0] =	vst.idx.add.f32.msk $0xffff, v1  }
0x86: {  	v11 =	vld [tilespmem:s13+$0xFFFFFF80]  }
0x87: {  	v17 =	vld [tilespmem:s13+$0x10]  }
0x88: {  	[tilespmem:v14+s8+$0x0] =	vst.idx.add.f32.msk $0xffff, v1  }
0x89: {  	v14 =	vld [tilespmem:s13+$0xF0]  }
0x8a: {  	[tilespmem:v15+s8+$0x0] =	vst.idx.add.f32.msk $0xffff, v1  }
0x8b: {  	v11 =	vadd.s32 $0x2800, v11;
	v15 =	vld [tilespmem:s13+$0xE0]  }
0x8c: {  	[tilespmem:v16+s8+$0x0] =	vst.idx.add.f32.msk $0xffff, v1  }
0x8d: {  	v16 =	vld [tilespmem:s13+$0xD0]  }
0x8e: {  	[tilespmem:v5+s8+$0x0] =	vst.idx.add.f32.msk $0xffff, v1  }
0x8f: {  	v18 =	vld [tilespmem:s13+$0xC0]  }
0x90: {  	[tilespmem:v11+s8+$0x0] =	vst.idx.add.f32.msk $0xffff, v1;
	v5 =	vadd.s32 $0x2800, v15  }
0x91: {  	[tilespmem:v10+s8+$0x0] =	vst.idx.add.f32.msk $0xffff, v1  }
0x92: {  	v10 =	vld [tilespmem:s13+$0xB0];
	v11 =	vadd.s32 $0x2800, v16  }
0x93: {  	[tilespmem:v9+s8+$0x0] =	vst.idx.add.f32.msk $0xffff, v1  }
0x94: {  	[tilespmem:v17+s8+$0x0] =	vst.idx.add.f32.msk $0xffff, v1  }
0x95: {  	[tilespmem:v13+s8+$0x0] =	vst.idx.add.f32.msk $0xffff, v1  }
0x96: {  	v9 =	vld [tilespmem:s13+$0xA0]  }
0x97: {  	[tilespmem:v5+s8+$0x0] =	vst.idx.add.f32.msk $0xffff, v1  }
0x98: {  	[tilespmem:v11+s8+$0x0] =	vst.idx.add.f32.msk $0xffff, v1  }
0x99: {  	[tilespmem:v12+s8+$0x0] =	vst.idx.add.f32.msk $0xffff, v1  }
0x9a: {  	[tilespmem:v3+s8+$0x0] =	vst.idx.add.f32.msk $0xffff, v1  }
0x9b: {  	v5 =	vadd.s32 $0x2800, v14;
	v3 =	vld [tilespmem:s13+$0xFFFFFFB0]  }
0x9c: {  	[tilespmem:v6+s8+$0x0] =	vst.idx.add.f32.msk $0xffff, v1  }
.Ltmp3:
0x9d: {  	v6 =	vadd.s32 $0x2800, v9;
	[tilespmem:v8+s8+$0x0] =	vst.idx.add.f32.msk $0xffff, v1;
	(pc) =	sbr.rel @p1 .LBB2_4-.Ltmp3, $4  }
0x9e: {  	[tilespmem:v4+s8+$0x0] =	vst.idx.add.f32.msk $0xffff, v1  }
0x9f: {  	v4 =	vadd.s32 $0x2800, v18;
	v8 =	vld [tilespmem:s13+$0xFFFFFFD0]  }
0xa0: {  	[tilespmem:v7+s8+$0x0] =	vst.idx.add.f32.msk $0xffff, v1  }
0xa1: {  	v7 =	vadd.s32 $0x2800, v10;
	v9 =	vld [tilespmem:s13+$0xFFFFFFE0]  }
0xa2: {  	v10 =	vld [tilespmem:s11+$0xFFFFFFC0]  }
0xa3: {  	v11 =	vld [tilespmem:s11+$0x80]  }
0xa4: {  	v12 =	vld [tilespmem:s11+$0x90]  }
0xa5: {  	v13 =	vld [tilespmem:s11+$0xFFFFFFA0]  }
0xa6: {  	v14 =	vld [tilespmem:s11+$0xFFFFFFF0];
	v2 =	vadd.s32 $0x2800, v2  }
0xa7: {  	[tilespmem:v5+s8+$0x0] =	vst.idx.add.f32.msk $0xffff, v1;
	v3 =	vadd.s32 $0x2800, v3  }
0xa8: {  	[tilespmem:v6+s8+$0x0] =	vst.idx.add.f32.msk $0xffff, v1;
	v8 =	vadd.s32 $0x2800, v8  }
0xa9: {  	[tilespmem:v7+s8+$0x0] =	vst.idx.add.f32.msk $0xffff, v1;
	v9 =	vadd.s32 $0x2800, v9  }
0xaa: {  	[tilespmem:v4+s8+$0x0] =	vst.idx.add.f32.msk $0xffff, v1;
	v59 =	vadd.s32 $0x2800, v10  }
0xab: {  	v60 =	vadd.s32 $0x2800, v11;
	[tilespmem:v2+s8+$0x0] =	vst.idx.add.f32.msk $0xffff, v1  }
0xac: {  	v61 =	vadd.s32 $0x2800, v13;
	[tilespmem:v3+s8+$0x0] =	vst.idx.add.f32.msk $0xffff, v1  }
0xad: {  	v62 =	vadd.s32 $0x2800, v14;
	[tilespmem:v8+s8+$0x0] =	vst.idx.add.f32.msk $0xffff, v1  }
0xae: {  	v63 =	vadd.s32 $0x2800, v12;
	[tilespmem:v9+s8+$0x0] =	vst.idx.add.f32.msk $0xffff, v1  }
.Ltmp4:
0xaf: {  	[tilespmem:v59+s8+$0x0] =	vst.idx.add.f32.msk $0xffff, v1;
	(pc) =	sbr.rel @p0 .LBB2_9-.Ltmp4, $4  }
0xb0: {  	[tilespmem:v60+s8+$0x0] =	vst.idx.add.f32.msk $0xffff, v1  }
0xb1: {  	[tilespmem:v61+s8+$0x0] =	vst.idx.add.f32.msk $0xffff, v1  }
0xb2: {  	[tilespmem:v62+s8+$0x0] =	vst.idx.add.f32.msk $0xffff, v1  }
0xb3: {  	[tilespmem:v63+s8+$0x0] =	vst.idx.add.f32.msk $0xffff, v1  }
0xb4: {  	s11 =	simm.s32 $0x2710;
	s12 =	simm.s32 $0x4E20  }
0xb5: {  	s11 =	sand.u32 $0x70, s11;
	s12 =	sand.u32 $0x5F00, s12  }
0xb6: {  	s11 =	sor.u32 s11, s12  }
0xb7: {  	s24 =	simm.s32 $0x0;
	s13 =	simm.s32 $0x0;
	v2 =	vld [tilespmem:s11+$0x0]  }
0xb8: {  	s13 =	sand.u32 $0x60, s13;
	s12 =	sand.u32 $0x300, s24  }
0xb9: {  	s12 =	sor.u32 s13, s12  }
0xba: {  	v3 =	vld [tilespmem:s12+$0x4E00]  }
0xbb: {  	s14 =	simm.s32 $0x4E60;
	s15 =	simm.s32 $0x2730  }
0xbc: {  	s25 =	sand.u32 $0x70, s15;
	s14 =	sand.u32 $0x5F00, s14  }
0xbd: {  	s13 =	sor.u32 s25, s14  }
0xbe: {  	v4 =	vld [tilespmem:s13+$0x0]  }
0xbf: {  	[tilespmem:v2+s8+$0x0] =	vst.idx.add.f32.msk $0xffff, v1  }
0xc0: {  	v2 =	vld [tilespmem:s11+$0x80]  }
0xc1: {  	s26 =	simm.s32 $0x40;
	s28 =	simm.s32 $0x20  }
0xc2: {  	s14 =	sand.u32 $0x60, s28;
	s11 =	sand.u32 $0x300, s26;
	[tilespmem:v3+s8+$0x0] =	vst.idx.add.f32.msk $0xffff, v1  }
0xc3: {  	s14 =	sor.u32 s14, s11;
	v7 =	vld [tilespmem:s12+$0x4E80]  }
0xc4: {  	v6 =	vld [tilespmem:s14+$0x4E00]  }
0xc5: {  	v5 =	vadd.s32 $0x2800, v2  }
0xc6: {  	s29 =	simm.s32 $0x4EA0;
	s11 =	simm.s32 $0x2750  }
0xc7: {  	s15 =	sand.u32 $0x5F00, s29;
	[tilespmem:v4+s8+$0x0] =	vst.idx.add.f32.msk $0xffff, v1;
	s16 =	sand.u32 $0x70, s11  }
0xc8: {  	s30 =	simm.s32 $0x80;
	s31 =	simm.s32 $0x40;
	v3 =	vld [tilespmem:s13+$0x80];
	s12 =	sor.u32 s16, s15  }
0xc9: {  	s15 =	sand.u32 $0x300, s30;
	s16 =	sand.u32 $0x60, s31;
	v2 =	vld [tilespmem:s12+$0x0];
	v4 =	vadd.s32 $0x2800, v7  }
0xca: {  	s13 =	sor.u32 s16, s15;
	[tilespmem:v5+s8+$0x0] =	vst.idx.add.f32.msk $0xffff, v1  }
0xcb: {  	v5 =	vld [tilespmem:s13+$0x4E00]  }
0xcc: {  	s15 =	simm.s32 $0x4;
	s16 =	simm.s32 $0xC0;
	[tilespmem:v6+s8+$0x0] =	vst.idx.add.f32.msk $0xffff, v1  }
.LBB2_7:
0xcd: {  	s17 =	sand.u32 $0x300, s16;
	s18 =	sadd.s32 $0x4E20, s16;
	s11 =	sadd.s32 $0x20, s11;
	v6 =	vld [tilespmem:s14+$0x4E80]  }
0xce: {  	v7 =	vadd.s32 $0x2800, v3;
	s14 =	sadd.s32 $0xFFFFD8F0, s11;
	s19 =	sand.u32 $0x70, s11;
	s18 =	sand.u32 $0x5F00, s18;
	[tilespmem:v4+s8+$0x0] =	vst.idx.add.f32.msk $0xffff, v1  }
0xcf: {  	s15 =	sadd.s32 $0x2, s15;
	s20 =	sand.u32 $0x60, s14;
	s18 =	sor.u32 s19, s18  }
0xd0: {  	v9 =	vmov v5;
	p1 =	slt.u32 s15, $0x1E;
	s14 =	smov.u32 s13;
	v8 =	vld [tilespmem:s18+$0x0];
	s13 =	sor.u32 s20, s17  }
.Ltmp5:
0xd1: {  	[tilespmem:v2+s8+$0x0] =	vst.idx.add.f32.msk $0xffff, v1;
	(pc) =	sbr.rel @p1 .LBB2_7-.Ltmp5, $4  }
0xd2: {  	v3 =	vld [tilespmem:s12+$0x80];
	v4 =	vadd.s32 $0x2800, v6;
	s12 =	smov.u32 s18  }
0xd3: {  	[tilespmem:v7+s8+$0x0] =	vst.idx.add.f32.msk $0xffff, v1  }
0xd4: {  	v5 =	vld [tilespmem:s13+$0x4E00]  }
0xd5: {  	s16 =	sadd.s32 $0x40, s16;
	[tilespmem:v9+s8+$0x0] =	vst.idx.add.f32.msk $0xffff, v1;
	v2 =	vmov v8  }
.Ltmp6:
0xd6: {  	_ = 	snop;
	(pc) =	sbr.rel .LBB2_8-.Ltmp6, $1  }
0xd7: {  	_ =	sdelay $0x3  }
.LBB2_10:
0xd8: {  	_ =	sfence.sel $0x180000  }
0xd9: {  	[bflag:$0x0] =	sbarrier.arrive $0xFFFF  }
0xda: {  	p0 =	sne.s32 s0, $0x0;
	_ =	strace $0x90000047  }
0xdb: {  	s0 =	sadd.s32 @!p0 $0x100000, s1;
	[bflag:$0x2] =	sbarrier.arrive $0xFFFF  }
0xdc: {  	[sflag:s0] =	ssyncadd.tile.s32 @!p0 $0x1;
	_ =	shalt  }
.Lfunc_end2:
_tile_overlayer_lowered:
.L_overlay_start_2:
0xdd: {  	(tag) =	ssettag $0x2  }
0xde: {  	s0 =	rddreg [dreg:$0x0];
	s2 =	stileid.u32  }
0xdf: {  	s1 =	rddreg [dreg:$0x1];
	p0 =	sne.s32 s2, $0x0  }
0xe0: {  	s3 =	rddreg [dreg:$0x2];
	[bflag:$0x3] =	sbarrier.arrive $0xFFFF;
	s2 =	simm.s32 @!p0 $0x1C03  }
0xe1: {  	[timem:s3], [sflag:s2] =	dma.local @!p0 [hbm:s0], s1  }
0xe2: {  	s0 =	simm.s32 @!p0 $0x3  }
0xe3: {  	_ =	swait.ge @!p0 [sflag:s0], s1  }
0xe4: {  	s1 =	ssub.s32 @!p0 $0x0, s1;
	[sflag:s0] =	ssyncset.done @!p0 $0x0  }
0xe5: {  	[sflag:s0] =	ssyncadd.s32 @!p0 s1  }
0xe6: {  	[bflag:$0x3] =	sbarrier.arrive $0xFFFF  }
0xe7: {  	_ =	shalt  }

</sc_bundles>
